<compile_context>
chip_gen: v7x
topology: tpu7x:2x2x1
jax: 0.10.2.dev20260603
libtpu: 0.0.44.dev20260713+nightly
codegen_flags: <defaults>
</compile_context>

<pallas_src>
import functools

import jax
import jax.numpy as jnp
from jax import lax
from jax.experimental import pallas as pl
from jax.experimental.pallas import tpu as pltpu
from jax.experimental.pallas import tpu_sc as plsc

_VOCAB = 1000000
_D = 64
_B = 16384
_L = 200
_N = _B * _L

_VLB = 32768
_NVB = -(-_VOCAB // _VLB)

_NC = 2
_NS = 16
_NW = _NC * _NS
_PER_W = _N // _NW
_CH = 12800
_NCHUNK = _PER_W // _CH

_PL = 50
_NPB = _L // _PL


def _project_body(embt_ref, w_ref, out_ref):
    xt = embt_ref[...]
    w = w_ref[...]
    y = lax.dot_general(w, xt, (((1,), (0,)), ((), ())),
                        preferred_element_type=jnp.float32)
    out_ref[...] = y[0]


def _project_table(embt, fc_w):
    return pl.pallas_call(
        _project_body,
        grid=(_NVB,),
        in_specs=[
            pl.BlockSpec((_D, _VLB), lambda i: (0, i)),
            pl.BlockSpec((1, _D), lambda i: (0, 0)),
        ],
        out_specs=pl.BlockSpec((_VLB,), lambda i: (i,)),
        out_shape=jax.ShapeDtypeStruct((_VOCAB,), jnp.float32),
    )(embt, fc_w)


def _sc_gather(p, idx_flat):
    mesh = plsc.VectorSubcoreMesh(core_axis_name="c", subcore_axis_name="s")

    @functools.partial(
        pl.kernel,
        out_type=jax.ShapeDtypeStruct((_N,), jnp.float32),
        mesh=mesh,
        scratch_types=[
            pltpu.VMEM((_CH,), jnp.int32),
            pltpu.VMEM((_CH,), jnp.int32),
            pltpu.VMEM((_CH,), jnp.int32),
            pltpu.VMEM((_CH,), jnp.float32),
            pltpu.VMEM((_CH,), jnp.float32),
            pltpu.SemaphoreType.DMA,
            pltpu.SemaphoreType.DMA,
            pltpu.SemaphoreType.DMA,
            pltpu.SemaphoreType.DMA,
            pltpu.SemaphoreType.DMA,
        ],
    )
    def gather_kernel(p_hbm, idx_hbm, out_hbm, idx0, idx1, idx2,
                      val0, val1, sem_i, sem_g0, sem_g1, sem_o0, sem_o1):
        wid = lax.axis_index("s") * _NC + lax.axis_index("c")
        base = wid * _PER_W
        ibufs = (idx0, idx1, idx2)
        vbufs = (val0, val1)
        gsems = (sem_g0, sem_g1)
        osems = (sem_o0, sem_o1)

        h_idx = [None] * _NCHUNK
        h_g = [None] * _NCHUNK
        h_out = [None] * _NCHUNK
        for k in range(min(2, _NCHUNK)):
            h_idx[k] = pltpu.async_copy(
                idx_hbm.at[pl.ds(base + k * _CH, _CH)], ibufs[k % 3], sem_i)
        for k in range(_NCHUNK):
            h_idx[k].wait()
            if k >= 2:
                h_out[k - 2].wait()
            h_g[k] = pltpu.async_copy(p_hbm.at[ibufs[k % 3]],
                                      vbufs[k % 2], gsems[k % 2])
            if k == 0 and _NCHUNK > 2:
                h_idx[2] = pltpu.async_copy(
                    idx_hbm.at[pl.ds(base + 2 * _CH, _CH)], ibufs[2], sem_i)
            if k >= 1:
                h_g[k - 1].wait()
                h_out[k - 1] = pltpu.async_copy(
                    vbufs[(k - 1) % 2],
                    out_hbm.at[pl.ds(base + (k - 1) * _CH, _CH)],
                    osems[(k - 1) % 2])
            if k >= 1 and k + 2 < _NCHUNK:
                off = base + (k + 2) * _CH
                h_idx[k + 2] = pltpu.async_copy(
                    idx_hbm.at[pl.ds(off, _CH)], ibufs[(k + 2) % 3], sem_i)
        h_g[_NCHUNK - 1].wait()
        h_out[_NCHUNK - 1] = pltpu.async_copy(
            vbufs[(_NCHUNK - 1) % 2],
            out_hbm.at[pl.ds(base + (_NCHUNK - 1) * _CH, _CH)],
            osems[(_NCHUNK - 1) % 2])
        for k in range(max(0, _NCHUNK - 2), _NCHUNK):
            h_out[k].wait()

    return gather_kernel(p, idx_flat)


def _pool_body(vals_ref, mask_ref, b_ref, out_ref, acc_s, acc_m):
    i = pl.program_id(0)

    @pl.when(i == 0)
    def _init():
        acc_s[...] = jnp.zeros((_B,), jnp.float32)
        acc_m[...] = jnp.zeros((_B,), jnp.float32)

    v = vals_ref[...]
    m = mask_ref[...].astype(jnp.float32)
    s_part = acc_s[...]
    m_part = acc_m[...]
    for s in range(_PL):
        sl = slice(s * _B, (s + 1) * _B)
        s_part = s_part + v[sl] * m[sl]
        m_part = m_part + m[sl]
    acc_s[...] = s_part
    acc_m[...] = m_part

    @pl.when(i == _NPB - 1)
    def _fin():
        out_ref[...] = s_part / m_part + b_ref[0, 0]


def _pool(vals, mask_flat, fc_b):
    b2d = fc_b.reshape(1, 1)
    return pl.pallas_call(
        _pool_body,
        grid=(_NPB,),
        in_specs=[
            pl.BlockSpec((_PL * _B,), lambda i: (i,)),
            pl.BlockSpec((_PL * _B,), lambda i: (i,)),
            pl.BlockSpec((1, 1), lambda i: (0, 0)),
        ],
        out_specs=pl.BlockSpec((_B,), lambda i: (0,)),
        out_shape=jax.ShapeDtypeStruct((_B,), jnp.float32),
        scratch_shapes=[
            pltpu.VMEM((_B,), jnp.float32),
            pltpu.VMEM((_B,), jnp.float32),
        ],
    )(vals, mask_flat, b2d)


def kernel(input_ids, attention_mask, emb_table, fc_w, fc_b):
    p = _project_table(emb_table.T, fc_w)
    idx_flat = input_ids.astype(jnp.int32).T.reshape(_N)
    mask_flat = attention_mask.astype(jnp.int32).T.reshape(_N)
    vals = _sc_gather(p, idx_flat)
    logits = _pool(vals, mask_flat, fc_b)
    return logits.reshape(_B, 1)

# --- scband reference (transcript-rebuilt; emitter-appended) ---
"""Pipeline reference for scband-word-averaging-model-69123203661964 (READ-ONLY COPY).

The authoritative reference and input builder live on the scoring server;
editing this copy changes nothing except your own understanding.
"""

import jax, jax.numpy as jnp
import numpy as np

VOCAB = 1000000
EMBED_DIM = 64
PAD_IDX = 0
BATCH = 16384
PAD_LEN = 200


def setup_inputs(seed: int = 0) -> dict:
    key = jax.random.key(seed)
    k1, k2, k3, k4 = jax.random.split(key, 4)
    input_ids = jax.random.randint(k1, (BATCH, PAD_LEN), 0, VOCAB, dtype=jnp.int64 if jax.config.jax_enable_x64 else jnp.int32)
    attention_mask = jnp.ones((BATCH, PAD_LEN), dtype=input_ids.dtype)
    init_range = 0.5 / EMBED_DIM
    emb_table = jax.random.uniform(k2, (VOCAB, EMBED_DIM), dtype=jnp.float32, minval=-init_range, maxval=init_range)
    emb_table = emb_table.at[PAD_IDX].set(0.0)
    fc_w = jax.random.normal(k3, (1, EMBED_DIM), dtype=jnp.float32) * (1.0 / np.sqrt(EMBED_DIM))
    fc_b = jax.random.normal(k4, (1,), dtype=jnp.float32) * 0.01
    return {"input_ids": input_ids, "attention_mask": attention_mask, "emb_table": emb_table, "fc_w": fc_w, "fc_b": fc_b}


def reference(input_ids, attention_mask, emb_table, fc_w, fc_b):
    # embedding lookup (dropout is identity in eval mode)
    embedded = jnp.take(emb_table, input_ids, axis=0)  # [B, L, D]
    mask = attention_mask.astype(jnp.float32)
    seq_len = mask.sum(axis=1, keepdims=True)  # [B, 1]
    weights = (mask / seq_len)[:, :, None]  # [B, L, 1]
    weighted_mean = (embedded * weights).sum(axis=1)  # [B, D]
    logits = weighted_mean @ fc_w.T + fc_b  # [B, 1]
    return logits

if __name__ == "__main__":
    import jax
    _d = setup_inputs()
    print(jax.jit(kernel)(*tuple(_d.values())))

</pallas_src>

<mosaic_0001>
#map = affine_map<(d0, d1) -> (0)>
module attributes {stable_mosaic.version = 14 : i64} {
  func.func @gather_kernel(%arg0: i32, %arg1: i32, %arg2: memref<1000000xf32, #tpu.memory_space<hbm>>, %arg3: memref<3276800xi32, #tpu.memory_space<hbm>>, %arg4: memref<3276800xf32, #tpu.memory_space<hbm>>, %arg5: memref<12800xi32, #tpu.memory_space<vmem>>, %arg6: memref<12800xi32, #tpu.memory_space<vmem>>, %arg7: memref<12800xi32, #tpu.memory_space<vmem>>, %arg8: memref<12800xf32, #tpu.memory_space<vmem>>, %arg9: memref<12800xf32, #tpu.memory_space<vmem>>, %arg10: memref<!tpu.dma_semaphore, #tpu.memory_space<semaphore_mem>>, %arg11: memref<!tpu.dma_semaphore, #tpu.memory_space<semaphore_mem>>, %arg12: memref<!tpu.dma_semaphore, #tpu.memory_space<semaphore_mem>>, %arg13: memref<!tpu.dma_semaphore, #tpu.memory_space<semaphore_mem>>, %arg14: memref<!tpu.dma_semaphore, #tpu.memory_space<semaphore_mem>>) attributes {dimension_semantics = [#tpu.dimension_semantics<core_parallel>, #tpu.dimension_semantics<subcore_parallel>], iteration_bounds = array<i64: 2, 16>, scalar_prefetch = 0 : i64, scratch_operands = 10 : i64, tpu.core_type = #tpu.core_type<sc_vector_subcore>, window_params = [{transform_indices = #map}, {transform_indices = #map}, {transform_indices = #map}]} {
    %mul3A = arith.constant 2 : i32
    %mul3A_0 = arith.muli %arg1, %mul3A : i32
    %add3A = arith.addi %mul3A_0, %arg0 : i32
    %mul3A_1 = arith.constant 102400 : i32
    %mul3A_2 = arith.muli %add3A, %mul3A_1 : i32
    %add3A_3 = arith.constant 0 : i32
    %add3A_4 = arith.addi %mul3A_2, %add3A_3 : i32
    %dma_start3A = tpu.memref_slice %arg3[%add3A_4] : memref<3276800xi32, #tpu.memory_space<hbm>> -> memref<12800xi32, #tpu.memory_space<hbm>>
    %dma_start3A_5 = tpu.memref_slice %arg3[%add3A_4] : memref<3276800xi32, #tpu.memory_space<hbm>> -> memref<12800xi32, #tpu.memory_space<hbm>>
    tpu.enqueue_dma source(%dma_start3A_5 : memref<12800xi32, #tpu.memory_space<hbm>>) target(%arg5 : memref<12800xi32, #tpu.memory_space<vmem>>) target_semaphore(%arg10 : memref<!tpu.dma_semaphore, #tpu.memory_space<semaphore_mem>>)
    %add3A_6 = arith.constant 12800 : i32
    %add3A_7 = arith.addi %mul3A_2, %add3A_6 : i32
    %dma_start3A_8 = tpu.memref_slice %arg3[%add3A_7] : memref<3276800xi32, #tpu.memory_space<hbm>> -> memref<12800xi32, #tpu.memory_space<hbm>>
    %dma_start3A_9 = tpu.memref_slice %arg3[%add3A_7] : memref<3276800xi32, #tpu.memory_space<hbm>> -> memref<12800xi32, #tpu.memory_space<hbm>>
    tpu.enqueue_dma source(%dma_start3A_9 : memref<12800xi32, #tpu.memory_space<hbm>>) target(%arg6 : memref<12800xi32, #tpu.memory_space<vmem>>) target_semaphore(%arg10 : memref<!tpu.dma_semaphore, #tpu.memory_space<semaphore_mem>>)
    %dma_wait3A = tpu.memref_slice %arg3[%add3A_4] : memref<3276800xi32, #tpu.memory_space<hbm>> -> memref<12800xi32, #tpu.memory_space<hbm>>
    %dma_wait3A_10 = tpu.memref_slice %arg3[%add3A_4] : memref<3276800xi32, #tpu.memory_space<hbm>> -> memref<12800xi32, #tpu.memory_space<hbm>>
    tpu.wait_dma2 semaphore(%arg10 : memref<!tpu.dma_semaphore, #tpu.memory_space<semaphore_mem>>) src(%dma_wait3A_10 : memref<12800xi32, #tpu.memory_space<hbm>>) dst(%arg5 : memref<12800xi32, #tpu.memory_space<vmem>>)
    %dma_start3A_11 = arith.constant 0 : i32
    %dma_start3A_12 = tpu.memref_slice %arg2[%dma_start3A_11] : memref<1000000xf32, #tpu.memory_space<hbm>> -> memref<1000000xf32, #tpu.memory_space<hbm>>
    tpu.enqueue_indirect_dma source(%dma_start3A_12 : memref<1000000xf32, #tpu.memory_space<hbm>>) target(%arg8 : memref<12800xf32, #tpu.memory_space<vmem>>) offsets(%arg5 : memref<12800xi32, #tpu.memory_space<vmem>>) semaphore(%arg11 : memref<!tpu.dma_semaphore, #tpu.memory_space<semaphore_mem>>)
    %add3A_13 = arith.constant 25600 : i32
    %add3A_14 = arith.addi %mul3A_2, %add3A_13 : i32
    %dma_start3A_15 = tpu.memref_slice %arg3[%add3A_14] : memref<3276800xi32, #tpu.memory_space<hbm>> -> memref<12800xi32, #tpu.memory_space<hbm>>
    %dma_start3A_16 = tpu.memref_slice %arg3[%add3A_14] : memref<3276800xi32, #tpu.memory_space<hbm>> -> memref<12800xi32, #tpu.memory_space<hbm>>
    tpu.enqueue_dma source(%dma_start3A_16 : memref<12800xi32, #tpu.memory_space<hbm>>) target(%arg7 : memref<12800xi32, #tpu.memory_space<vmem>>) target_semaphore(%arg10 : memref<!tpu.dma_semaphore, #tpu.memory_space<semaphore_mem>>)
    %dma_wait3A_17 = tpu.memref_slice %arg3[%add3A_7] : memref<3276800xi32, #tpu.memory_space<hbm>> -> memref<12800xi32, #tpu.memory_space<hbm>>
    %dma_wait3A_18 = tpu.memref_slice %arg3[%add3A_7] : memref<3276800xi32, #tpu.memory_space<hbm>> -> memref<12800xi32, #tpu.memory_space<hbm>>
    tpu.wait_dma2 semaphore(%arg10 : memref<!tpu.dma_semaphore, #tpu.memory_space<semaphore_mem>>) src(%dma_wait3A_18 : memref<12800xi32, #tpu.memory_space<hbm>>) dst(%arg6 : memref<12800xi32, #tpu.memory_space<vmem>>)
    %dma_start3A_19 = arith.constant 0 : i32
    %dma_start3A_20 = tpu.memref_slice %arg2[%dma_start3A_19] : memref<1000000xf32, #tpu.memory_space<hbm>> -> memref<1000000xf32, #tpu.memory_space<hbm>>
    tpu.enqueue_indirect_dma source(%dma_start3A_20 : memref<1000000xf32, #tpu.memory_space<hbm>>) target(%arg9 : memref<12800xf32, #tpu.memory_space<vmem>>) offsets(%arg6 : memref<12800xi32, #tpu.memory_space<vmem>>) semaphore(%arg12 : memref<!tpu.dma_semaphore, #tpu.memory_space<semaphore_mem>>)
    %dma_wait3A_21 = arith.constant 0 : i32
    %dma_wait3A_22 = tpu.memref_slice %arg2[%dma_wait3A_21] : memref<1000000xf32, #tpu.memory_space<hbm>> -> memref<1000000xf32, #tpu.memory_space<hbm>>
    tpu.wait_indirect_dma semaphore(%arg11 : memref<!tpu.dma_semaphore, #tpu.memory_space<semaphore_mem>>) src(%dma_wait3A_22 : memref<1000000xf32, #tpu.memory_space<hbm>>) dst(%arg8 : memref<12800xf32, #tpu.memory_space<vmem>>)
    %add3A_23 = arith.constant 0 : i32
    %add3A_24 = arith.addi %mul3A_2, %add3A_23 : i32
    %dma_start3A_25 = tpu.memref_slice %arg4[%add3A_24] : memref<3276800xf32, #tpu.memory_space<hbm>> -> memref<12800xf32, #tpu.memory_space<hbm>>
    %dma_start3A_26 = tpu.memref_slice %arg4[%add3A_24] : memref<3276800xf32, #tpu.memory_space<hbm>> -> memref<12800xf32, #tpu.memory_space<hbm>>
    tpu.enqueue_dma source(%arg8 : memref<12800xf32, #tpu.memory_space<vmem>>) target(%dma_start3A_26 : memref<12800xf32, #tpu.memory_space<hbm>>) target_semaphore(%arg13 : memref<!tpu.dma_semaphore, #tpu.memory_space<semaphore_mem>>)
    %add3A_27 = arith.constant 38400 : i32
    %add3A_28 = arith.addi %mul3A_2, %add3A_27 : i32
    %dma_start3A_29 = tpu.memref_slice %arg3[%add3A_28] : memref<3276800xi32, #tpu.memory_space<hbm>> -> memref<12800xi32, #tpu.memory_space<hbm>>
    %dma_start3A_30 = tpu.memref_slice %arg3[%add3A_28] : memref<3276800xi32, #tpu.memory_space<hbm>> -> memref<12800xi32, #tpu.memory_space<hbm>>
    tpu.enqueue_dma source(%dma_start3A_30 : memref<12800xi32, #tpu.memory_space<hbm>>) target(%arg5 : memref<12800xi32, #tpu.memory_space<vmem>>) target_semaphore(%arg10 : memref<!tpu.dma_semaphore, #tpu.memory_space<semaphore_mem>>)
    %dma_wait3A_31 = tpu.memref_slice %arg3[%add3A_14] : memref<3276800xi32, #tpu.memory_space<hbm>> -> memref<12800xi32, #tpu.memory_space<hbm>>
    %dma_wait3A_32 = tpu.memref_slice %arg3[%add3A_14] : memref<3276800xi32, #tpu.memory_space<hbm>> -> memref<12800xi32, #tpu.memory_space<hbm>>
    tpu.wait_dma2 semaphore(%arg10 : memref<!tpu.dma_semaphore, #tpu.memory_space<semaphore_mem>>) src(%dma_wait3A_32 : memref<12800xi32, #tpu.memory_space<hbm>>) dst(%arg7 : memref<12800xi32, #tpu.memory_space<vmem>>)
    %dma_wait3A_33 = tpu.memref_slice %arg4[%add3A_24] : memref<3276800xf32, #tpu.memory_space<hbm>> -> memref<12800xf32, #tpu.memory_space<hbm>>
    %dma_wait3A_34 = tpu.memref_slice %arg4[%add3A_24] : memref<3276800xf32, #tpu.memory_space<hbm>> -> memref<12800xf32, #tpu.memory_space<hbm>>
    tpu.wait_dma2 semaphore(%arg13 : memref<!tpu.dma_semaphore, #tpu.memory_space<semaphore_mem>>) src(%arg8 : memref<12800xf32, #tpu.memory_space<vmem>>) dst(%dma_wait3A_34 : memref<12800xf32, #tpu.memory_space<hbm>>)
    %dma_start3A_35 = arith.constant 0 : i32
    %dma_start3A_36 = tpu.memref_slice %arg2[%dma_start3A_35] : memref<1000000xf32, #tpu.memory_space<hbm>> -> memref<1000000xf32, #tpu.memory_space<hbm>>
    tpu.enqueue_indirect_dma source(%dma_start3A_36 : memref<1000000xf32, #tpu.memory_space<hbm>>) target(%arg8 : memref<12800xf32, #tpu.memory_space<vmem>>) offsets(%arg7 : memref<12800xi32, #tpu.memory_space<vmem>>) semaphore(%arg11 : memref<!tpu.dma_semaphore, #tpu.memory_space<semaphore_mem>>)
    %dma_wait3A_37 = arith.constant 0 : i32
    %dma_wait3A_38 = tpu.memref_slice %arg2[%dma_wait3A_37] : memref<1000000xf32, #tpu.memory_space<hbm>> -> memref<1000000xf32, #tpu.memory_space<hbm>>
    tpu.wait_indirect_dma semaphore(%arg12 : memref<!tpu.dma_semaphore, #tpu.memory_space<semaphore_mem>>) src(%dma_wait3A_38 : memref<1000000xf32, #tpu.memory_space<hbm>>) dst(%arg9 : memref<12800xf32, #tpu.memory_space<vmem>>)
    %add3A_39 = arith.constant 12800 : i32
    %add3A_40 = arith.addi %mul3A_2, %add3A_39 : i32
    %dma_start3A_41 = tpu.memref_slice %arg4[%add3A_40] : memref<3276800xf32, #tpu.memory_space<hbm>> -> memref<12800xf32, #tpu.memory_space<hbm>>
    %dma_start3A_42 = tpu.memref_slice %arg4[%add3A_40] : memref<3276800xf32, #tpu.memory_space<hbm>> -> memref<12800xf32, #tpu.memory_space<hbm>>
    tpu.enqueue_dma source(%arg9 : memref<12800xf32, #tpu.memory_space<vmem>>) target(%dma_start3A_42 : memref<12800xf32, #tpu.memory_space<hbm>>) target_semaphore(%arg14 : memref<!tpu.dma_semaphore, #tpu.memory_space<semaphore_mem>>)
    %add3A_43 = arith.constant 51200 : i32
    %add3A_44 = arith.addi %mul3A_2, %add3A_43 : i32
    %dma_start3A_45 = tpu.memref_slice %arg3[%add3A_44] : memref<3276800xi32, #tpu.memory_space<hbm>> -> memref<12800xi32, #tpu.memory_space<hbm>>
    %dma_start3A_46 = tpu.memref_slice %arg3[%add3A_44] : memref<3276800xi32, #tpu.memory_space<hbm>> -> memref<12800xi32, #tpu.memory_space<hbm>>
    tpu.enqueue_dma source(%dma_start3A_46 : memref<12800xi32, #tpu.memory_space<hbm>>) target(%arg6 : memref<12800xi32, #tpu.memory_space<vmem>>) target_semaphore(%arg10 : memref<!tpu.dma_semaphore, #tpu.memory_space<semaphore_mem>>)
    %dma_wait3A_47 = tpu.memref_slice %arg3[%add3A_28] : memref<3276800xi32, #tpu.memory_space<hbm>> -> memref<12800xi32, #tpu.memory_space<hbm>>
    %dma_wait3A_48 = tpu.memref_slice %arg3[%add3A_28] : memref<3276800xi32, #tpu.memory_space<hbm>> -> memref<12800xi32, #tpu.memory_space<hbm>>
    tpu.wait_dma2 semaphore(%arg10 : memref<!tpu.dma_semaphore, #tpu.memory_space<semaphore_mem>>) src(%dma_wait3A_48 : memref<12800xi32, #tpu.memory_space<hbm>>) dst(%arg5 : memref<12800xi32, #tpu.memory_space<vmem>>)
    %dma_wait3A_49 = tpu.memref_slice %arg4[%add3A_40] : memref<3276800xf32, #tpu.memory_space<hbm>> -> memref<12800xf32, #tpu.memory_space<hbm>>
    %dma_wait3A_50 = tpu.memref_slice %arg4[%add3A_40] : memref<3276800xf32, #tpu.memory_space<hbm>> -> memref<12800xf32, #tpu.memory_space<hbm>>
    tpu.wait_dma2 semaphore(%arg14 : memref<!tpu.dma_semaphore, #tpu.memory_space<semaphore_mem>>) src(%arg9 : memref<12800xf32, #tpu.memory_space<vmem>>) dst(%dma_wait3A_50 : memref<12800xf32, #tpu.memory_space<hbm>>)
    %dma_start3A_51 = arith.constant 0 : i32
    %dma_start3A_52 = tpu.memref_slice %arg2[%dma_start3A_51] : memref<1000000xf32, #tpu.memory_space<hbm>> -> memref<1000000xf32, #tpu.memory_space<hbm>>
    tpu.enqueue_indirect_dma source(%dma_start3A_52 : memref<1000000xf32, #tpu.memory_space<hbm>>) target(%arg9 : memref<12800xf32, #tpu.memory_space<vmem>>) offsets(%arg5 : memref<12800xi32, #tpu.memory_space<vmem>>) semaphore(%arg12 : memref<!tpu.dma_semaphore, #tpu.memory_space<semaphore_mem>>)
    %dma_wait3A_53 = arith.constant 0 : i32
    %dma_wait3A_54 = tpu.memref_slice %arg2[%dma_wait3A_53] : memref<1000000xf32, #tpu.memory_space<hbm>> -> memref<1000000xf32, #tpu.memory_space<hbm>>
    tpu.wait_indirect_dma semaphore(%arg11 : memref<!tpu.dma_semaphore, #tpu.memory_space<semaphore_mem>>) src(%dma_wait3A_54 : memref<1000000xf32, #tpu.memory_space<hbm>>) dst(%arg8 : memref<12800xf32, #tpu.memory_space<vmem>>)
    %add3A_55 = arith.constant 25600 : i32
    %add3A_56 = arith.addi %mul3A_2, %add3A_55 : i32
    %dma_start3A_57 = tpu.memref_slice %arg4[%add3A_56] : memref<3276800xf32, #tpu.memory_space<hbm>> -> memref<12800xf32, #tpu.memory_space<hbm>>
    %dma_start3A_58 = tpu.memref_slice %arg4[%add3A_56] : memref<3276800xf32, #tpu.memory_space<hbm>> -> memref<12800xf32, #tpu.memory_space<hbm>>
    tpu.enqueue_dma source(%arg8 : memref<12800xf32, #tpu.memory_space<vmem>>) target(%dma_start3A_58 : memref<12800xf32, #tpu.memory_space<hbm>>) target_semaphore(%arg13 : memref<!tpu.dma_semaphore, #tpu.memory_space<semaphore_mem>>)
    %add3A_59 = arith.constant 64000 : i32
    %add3A_60 = arith.addi %mul3A_2, %add3A_59 : i32
    %dma_start3A_61 = tpu.memref_slice %arg3[%add3A_60] : memref<3276800xi32, #tpu.memory_space<hbm>> -> memref<12800xi32, #tpu.memory_space<hbm>>
    %dma_start3A_62 = tpu.memref_slice %arg3[%add3A_60] : memref<3276800xi32, #tpu.memory_space<hbm>> -> memref<12800xi32, #tpu.memory_space<hbm>>
    tpu.enqueue_dma source(%dma_start3A_62 : memref<12800xi32, #tpu.memory_space<hbm>>) target(%arg7 : memref<12800xi32, #tpu.memory_space<vmem>>) target_semaphore(%arg10 : memref<!tpu.dma_semaphore, #tpu.memory_space<semaphore_mem>>)
    %dma_wait3A_63 = tpu.memref_slice %arg3[%add3A_44] : memref<3276800xi32, #tpu.memory_space<hbm>> -> memref<12800xi32, #tpu.memory_space<hbm>>
    %dma_wait3A_64 = tpu.memref_slice %arg3[%add3A_44] : memref<3276800xi32, #tpu.memory_space<hbm>> -> memref<12800xi32, #tpu.memory_space<hbm>>
    tpu.wait_dma2 semaphore(%arg10 : memref<!tpu.dma_semaphore, #tpu.memory_space<semaphore_mem>>) src(%dma_wait3A_64 : memref<12800xi32, #tpu.memory_space<hbm>>) dst(%arg6 : memref<12800xi32, #tpu.memory_space<vmem>>)
    %dma_wait3A_65 = tpu.memref_slice %arg4[%add3A_56] : memref<3276800xf32, #tpu.memory_space<hbm>> -> memref<12800xf32, #tpu.memory_space<hbm>>
    %dma_wait3A_66 = tpu.memref_slice %arg4[%add3A_56] : memref<3276800xf32, #tpu.memory_space<hbm>> -> memref<12800xf32, #tpu.memory_space<hbm>>
    tpu.wait_dma2 semaphore(%arg13 : memref<!tpu.dma_semaphore, #tpu.memory_space<semaphore_mem>>) src(%arg8 : memref<12800xf32, #tpu.memory_space<vmem>>) dst(%dma_wait3A_66 : memref<12800xf32, #tpu.memory_space<hbm>>)
    %dma_start3A_67 = arith.constant 0 : i32
    %dma_start3A_68 = tpu.memref_slice %arg2[%dma_start3A_67] : memref<1000000xf32, #tpu.memory_space<hbm>> -> memref<1000000xf32, #tpu.memory_space<hbm>>
    tpu.enqueue_indirect_dma source(%dma_start3A_68 : memref<1000000xf32, #tpu.memory_space<hbm>>) target(%arg8 : memref<12800xf32, #tpu.memory_space<vmem>>) offsets(%arg6 : memref<12800xi32, #tpu.memory_space<vmem>>) semaphore(%arg11 : memref<!tpu.dma_semaphore, #tpu.memory_space<semaphore_mem>>)
    %dma_wait3A_69 = arith.constant 0 : i32
    %dma_wait3A_70 = tpu.memref_slice %arg2[%dma_wait3A_69] : memref<1000000xf32, #tpu.memory_space<hbm>> -> memref<1000000xf32, #tpu.memory_space<hbm>>
    tpu.wait_indirect_dma semaphore(%arg12 : memref<!tpu.dma_semaphore, #tpu.memory_space<semaphore_mem>>) src(%dma_wait3A_70 : memref<1000000xf32, #tpu.memory_space<hbm>>) dst(%arg9 : memref<12800xf32, #tpu.memory_space<vmem>>)
    %add3A_71 = arith.constant 38400 : i32
    %add3A_72 = arith.addi %mul3A_2, %add3A_71 : i32
    %dma_start3A_73 = tpu.memref_slice %arg4[%add3A_72] : memref<3276800xf32, #tpu.memory_space<hbm>> -> memref<12800xf32, #tpu.memory_space<hbm>>
    %dma_start3A_74 = tpu.memref_slice %arg4[%add3A_72] : memref<3276800xf32, #tpu.memory_space<hbm>> -> memref<12800xf32, #tpu.memory_space<hbm>>
    tpu.enqueue_dma source(%arg9 : memref<12800xf32, #tpu.memory_space<vmem>>) target(%dma_start3A_74 : memref<12800xf32, #tpu.memory_space<hbm>>) target_semaphore(%arg14 : memref<!tpu.dma_semaphore, #tpu.memory_space<semaphore_mem>>)
    %add3A_75 = arith.constant 76800 : i32
    %add3A_76 = arith.addi %mul3A_2, %add3A_75 : i32
    %dma_start3A_77 = tpu.memref_slice %arg3[%add3A_76] : memref<3276800xi32, #tpu.memory_space<hbm>> -> memref<12800xi32, #tpu.memory_space<hbm>>
    %dma_start3A_78 = tpu.memref_slice %arg3[%add3A_76] : memref<3276800xi32, #tpu.memory_space<hbm>> -> memref<12800xi32, #tpu.memory_space<hbm>>
    tpu.enqueue_dma source(%dma_start3A_78 : memref<12800xi32, #tpu.memory_space<hbm>>) target(%arg5 : memref<12800xi32, #tpu.memory_space<vmem>>) target_semaphore(%arg10 : memref<!tpu.dma_semaphore, #tpu.memory_space<semaphore_mem>>)
    %dma_wait3A_79 = tpu.memref_slice %arg3[%add3A_60] : memref<3276800xi32, #tpu.memory_space<hbm>> -> memref<12800xi32, #tpu.memory_space<hbm>>
    %dma_wait3A_80 = tpu.memref_slice %arg3[%add3A_60] : memref<3276800xi32, #tpu.memory_space<hbm>> -> memref<12800xi32, #tpu.memory_space<hbm>>
    tpu.wait_dma2 semaphore(%arg10 : memref<!tpu.dma_semaphore, #tpu.memory_space<semaphore_mem>>) src(%dma_wait3A_80 : memref<12800xi32, #tpu.memory_space<hbm>>) dst(%arg7 : memref<12800xi32, #tpu.memory_space<vmem>>)
    %dma_wait3A_81 = tpu.memref_slice %arg4[%add3A_72] : memref<3276800xf32, #tpu.memory_space<hbm>> -> memref<12800xf32, #tpu.memory_space<hbm>>
    %dma_wait3A_82 = tpu.memref_slice %arg4[%add3A_72] : memref<3276800xf32, #tpu.memory_space<hbm>> -> memref<12800xf32, #tpu.memory_space<hbm>>
    tpu.wait_dma2 semaphore(%arg14 : memref<!tpu.dma_semaphore, #tpu.memory_space<semaphore_mem>>) src(%arg9 : memref<12800xf32, #tpu.memory_space<vmem>>) dst(%dma_wait3A_82 : memref<12800xf32, #tpu.memory_space<hbm>>)
    %dma_start3A_83 = arith.constant 0 : i32
    %dma_start3A_84 = tpu.memref_slice %arg2[%dma_start3A_83] : memref<1000000xf32, #tpu.memory_space<hbm>> -> memref<1000000xf32, #tpu.memory_space<hbm>>
    tpu.enqueue_indirect_dma source(%dma_start3A_84 : memref<1000000xf32, #tpu.memory_space<hbm>>) target(%arg9 : memref<12800xf32, #tpu.memory_space<vmem>>) offsets(%arg7 : memref<12800xi32, #tpu.memory_space<vmem>>) semaphore(%arg12 : memref<!tpu.dma_semaphore, #tpu.memory_space<semaphore_mem>>)
    %dma_wait3A_85 = arith.constant 0 : i32
    %dma_wait3A_86 = tpu.memref_slice %arg2[%dma_wait3A_85] : memref<1000000xf32, #tpu.memory_space<hbm>> -> memref<1000000xf32, #tpu.memory_space<hbm>>
    tpu.wait_indirect_dma semaphore(%arg11 : memref<!tpu.dma_semaphore, #tpu.memory_space<semaphore_mem>>) src(%dma_wait3A_86 : memref<1000000xf32, #tpu.memory_space<hbm>>) dst(%arg8 : memref<12800xf32, #tpu.memory_space<vmem>>)
    %add3A_87 = arith.constant 51200 : i32
    %add3A_88 = arith.addi %mul3A_2, %add3A_87 : i32
    %dma_start3A_89 = tpu.memref_slice %arg4[%add3A_88] : memref<3276800xf32, #tpu.memory_space<hbm>> -> memref<12800xf32, #tpu.memory_space<hbm>>
    %dma_start3A_90 = tpu.memref_slice %arg4[%add3A_88] : memref<3276800xf32, #tpu.memory_space<hbm>> -> memref<12800xf32, #tpu.memory_space<hbm>>
    tpu.enqueue_dma source(%arg8 : memref<12800xf32, #tpu.memory_space<vmem>>) target(%dma_start3A_90 : memref<12800xf32, #tpu.memory_space<hbm>>) target_semaphore(%arg13 : memref<!tpu.dma_semaphore, #tpu.memory_space<semaphore_mem>>)
    %add3A_91 = arith.constant 89600 : i32
    %add3A_92 = arith.addi %mul3A_2, %add3A_91 : i32
    %dma_start3A_93 = tpu.memref_slice %arg3[%add3A_92] : memref<3276800xi32, #tpu.memory_space<hbm>> -> memref<12800xi32, #tpu.memory_space<hbm>>
    %dma_start3A_94 = tpu.memref_slice %arg3[%add3A_92] : memref<3276800xi32, #tpu.memory_space<hbm>> -> memref<12800xi32, #tpu.memory_space<hbm>>
    tpu.enqueue_dma source(%dma_start3A_94 : memref<12800xi32, #tpu.memory_space<hbm>>) target(%arg6 : memref<12800xi32, #tpu.memory_space<vmem>>) target_semaphore(%arg10 : memref<!tpu.dma_semaphore, #tpu.memory_space<semaphore_mem>>)
    %dma_wait3A_95 = tpu.memref_slice %arg3[%add3A_76] : memref<3276800xi32, #tpu.memory_space<hbm>> -> memref<12800xi32, #tpu.memory_space<hbm>>
    %dma_wait3A_96 = tpu.memref_slice %arg3[%add3A_76] : memref<3276800xi32, #tpu.memory_space<hbm>> -> memref<12800xi32, #tpu.memory_space<hbm>>
    tpu.wait_dma2 semaphore(%arg10 : memref<!tpu.dma_semaphore, #tpu.memory_space<semaphore_mem>>) src(%dma_wait3A_96 : memref<12800xi32, #tpu.memory_space<hbm>>) dst(%arg5 : memref<12800xi32, #tpu.memory_space<vmem>>)
    %dma_wait3A_97 = tpu.memref_slice %arg4[%add3A_88] : memref<3276800xf32, #tpu.memory_space<hbm>> -> memref<12800xf32, #tpu.memory_space<hbm>>
    %dma_wait3A_98 = tpu.memref_slice %arg4[%add3A_88] : memref<3276800xf32, #tpu.memory_space<hbm>> -> memref<12800xf32, #tpu.memory_space<hbm>>
    tpu.wait_dma2 semaphore(%arg13 : memref<!tpu.dma_semaphore, #tpu.memory_space<semaphore_mem>>) src(%arg8 : memref<12800xf32, #tpu.memory_space<vmem>>) dst(%dma_wait3A_98 : memref<12800xf32, #tpu.memory_space<hbm>>)
    %dma_start3A_99 = arith.constant 0 : i32
    %dma_start3A_100 = tpu.memref_slice %arg2[%dma_start3A_99] : memref<1000000xf32, #tpu.memory_space<hbm>> -> memref<1000000xf32, #tpu.memory_space<hbm>>
    tpu.enqueue_indirect_dma source(%dma_start3A_100 : memref<1000000xf32, #tpu.memory_space<hbm>>) target(%arg8 : memref<12800xf32, #tpu.memory_space<vmem>>) offsets(%arg5 : memref<12800xi32, #tpu.memory_space<vmem>>) semaphore(%arg11 : memref<!tpu.dma_semaphore, #tpu.memory_space<semaphore_mem>>)
    %dma_wait3A_101 = arith.constant 0 : i32
    %dma_wait3A_102 = tpu.memref_slice %arg2[%dma_wait3A_101] : memref<1000000xf32, #tpu.memory_space<hbm>> -> memref<1000000xf32, #tpu.memory_space<hbm>>
    tpu.wait_indirect_dma semaphore(%arg12 : memref<!tpu.dma_semaphore, #tpu.memory_space<semaphore_mem>>) src(%dma_wait3A_102 : memref<1000000xf32, #tpu.memory_space<hbm>>) dst(%arg9 : memref<12800xf32, #tpu.memory_space<vmem>>)
    %add3A_103 = arith.constant 64000 : i32
    %add3A_104 = arith.addi %mul3A_2, %add3A_103 : i32
    %dma_start3A_105 = tpu.memref_slice %arg4[%add3A_104] : memref<3276800xf32, #tpu.memory_space<hbm>> -> memref<12800xf32, #tpu.memory_space<hbm>>
    %dma_start3A_106 = tpu.memref_slice %arg4[%add3A_104] : memref<3276800xf32, #tpu.memory_space<hbm>> -> memref<12800xf32, #tpu.memory_space<hbm>>
    tpu.enqueue_dma source(%arg9 : memref<12800xf32, #tpu.memory_space<vmem>>) target(%dma_start3A_106 : memref<12800xf32, #tpu.memory_space<hbm>>) target_semaphore(%arg14 : memref<!tpu.dma_semaphore, #tpu.memory_space<semaphore_mem>>)
    %dma_wait3A_107 = tpu.memref_slice %arg3[%add3A_92] : memref<3276800xi32, #tpu.memory_space<hbm>> -> memref<12800xi32, #tpu.memory_space<hbm>>
    %dma_wait3A_108 = tpu.memref_slice %arg3[%add3A_92] : memref<3276800xi32, #tpu.memory_space<hbm>> -> memref<12800xi32, #tpu.memory_space<hbm>>
    tpu.wait_dma2 semaphore(%arg10 : memref<!tpu.dma_semaphore, #tpu.memory_space<semaphore_mem>>) src(%dma_wait3A_108 : memref<12800xi32, #tpu.memory_space<hbm>>) dst(%arg6 : memref<12800xi32, #tpu.memory_space<vmem>>)
    %dma_wait3A_109 = tpu.memref_slice %arg4[%add3A_104] : memref<3276800xf32, #tpu.memory_space<hbm>> -> memref<12800xf32, #tpu.memory_space<hbm>>
    %dma_wait3A_110 = tpu.memref_slice %arg4[%add3A_104] : memref<3276800xf32, #tpu.memory_space<hbm>> -> memref<12800xf32, #tpu.memory_space<hbm>>
    tpu.wait_dma2 semaphore(%arg14 : memref<!tpu.dma_semaphore, #tpu.memory_space<semaphore_mem>>) src(%arg9 : memref<12800xf32, #tpu.memory_space<vmem>>) dst(%dma_wait3A_110 : memref<12800xf32, #tpu.memory_space<hbm>>)
    %dma_start3A_111 = arith.constant 0 : i32
    %dma_start3A_112 = tpu.memref_slice %arg2[%dma_start3A_111] : memref<1000000xf32, #tpu.memory_space<hbm>> -> memref<1000000xf32, #tpu.memory_space<hbm>>
    tpu.enqueue_indirect_dma source(%dma_start3A_112 : memref<1000000xf32, #tpu.memory_space<hbm>>) target(%arg9 : memref<12800xf32, #tpu.memory_space<vmem>>) offsets(%arg6 : memref<12800xi32, #tpu.memory_space<vmem>>) semaphore(%arg12 : memref<!tpu.dma_semaphore, #tpu.memory_space<semaphore_mem>>)
    %dma_wait3A_113 = arith.constant 0 : i32
    %dma_wait3A_114 = tpu.memref_slice %arg2[%dma_wait3A_113] : memref<1000000xf32, #tpu.memory_space<hbm>> -> memref<1000000xf32, #tpu.memory_space<hbm>>
    tpu.wait_indirect_dma semaphore(%arg11 : memref<!tpu.dma_semaphore, #tpu.memory_space<semaphore_mem>>) src(%dma_wait3A_114 : memref<1000000xf32, #tpu.memory_space<hbm>>) dst(%arg8 : memref<12800xf32, #tpu.memory_space<vmem>>)
    %add3A_115 = arith.constant 76800 : i32
    %add3A_116 = arith.addi %mul3A_2, %add3A_115 : i32
    %dma_start3A_117 = tpu.memref_slice %arg4[%add3A_116] : memref<3276800xf32, #tpu.memory_space<hbm>> -> memref<12800xf32, #tpu.memory_space<hbm>>
    %dma_start3A_118 = tpu.memref_slice %arg4[%add3A_116] : memref<3276800xf32, #tpu.memory_space<hbm>> -> memref<12800xf32, #tpu.memory_space<hbm>>
    tpu.enqueue_dma source(%arg8 : memref<12800xf32, #tpu.memory_space<vmem>>) target(%dma_start3A_118 : memref<12800xf32, #tpu.memory_space<hbm>>) target_semaphore(%arg13 : memref<!tpu.dma_semaphore, #tpu.memory_space<semaphore_mem>>)
    %dma_wait3A_119 = arith.constant 0 : i32
    %dma_wait3A_120 = tpu.memref_slice %arg2[%dma_wait3A_119] : memref<1000000xf32, #tpu.memory_space<hbm>> -> memref<1000000xf32, #tpu.memory_space<hbm>>
    tpu.wait_indirect_dma semaphore(%arg12 : memref<!tpu.dma_semaphore, #tpu.memory_space<semaphore_mem>>) src(%dma_wait3A_120 : memref<1000000xf32, #tpu.memory_space<hbm>>) dst(%arg9 : memref<12800xf32, #tpu.memory_space<vmem>>)
    %add3A_121 = arith.constant 89600 : i32
    %add3A_122 = arith.addi %mul3A_2, %add3A_121 : i32
    %dma_start3A_123 = tpu.memref_slice %arg4[%add3A_122] : memref<3276800xf32, #tpu.memory_space<hbm>> -> memref<12800xf32, #tpu.memory_space<hbm>>
    %dma_start3A_124 = tpu.memref_slice %arg4[%add3A_122] : memref<3276800xf32, #tpu.memory_space<hbm>> -> memref<12800xf32, #tpu.memory_space<hbm>>
    tpu.enqueue_dma source(%arg9 : memref<12800xf32, #tpu.memory_space<vmem>>) target(%dma_start3A_124 : memref<12800xf32, #tpu.memory_space<hbm>>) target_semaphore(%arg14 : memref<!tpu.dma_semaphore, #tpu.memory_space<semaphore_mem>>)
    %dma_wait3A_125 = tpu.memref_slice %arg4[%add3A_116] : memref<3276800xf32, #tpu.memory_space<hbm>> -> memref<12800xf32, #tpu.memory_space<hbm>>
    %dma_wait3A_126 = tpu.memref_slice %arg4[%add3A_116] : memref<3276800xf32, #tpu.memory_space<hbm>> -> memref<12800xf32, #tpu.memory_space<hbm>>
    tpu.wait_dma2 semaphore(%arg13 : memref<!tpu.dma_semaphore, #tpu.memory_space<semaphore_mem>>) src(%arg8 : memref<12800xf32, #tpu.memory_space<vmem>>) dst(%dma_wait3A_126 : memref<12800xf32, #tpu.memory_space<hbm>>)
    %dma_wait3A_127 = tpu.memref_slice %arg4[%add3A_122] : memref<3276800xf32, #tpu.memory_space<hbm>> -> memref<12800xf32, #tpu.memory_space<hbm>>
    %dma_wait3A_128 = tpu.memref_slice %arg4[%add3A_122] : memref<3276800xf32, #tpu.memory_space<hbm>> -> memref<12800xf32, #tpu.memory_space<hbm>>
    tpu.wait_dma2 semaphore(%arg14 : memref<!tpu.dma_semaphore, #tpu.memory_space<semaphore_mem>>) src(%arg9 : memref<12800xf32, #tpu.memory_space<vmem>>) dst(%dma_wait3A_128 : memref<12800xf32, #tpu.memory_space<hbm>>)
    return
  }
}

module attributes {stable_mosaic.version = 14 : i64} {
  func.func @_project_body(%arg0: i32, %arg1: memref<64x32768xf32, #tpu.memory_space<vmem>>, %arg2: memref<1x64xf32, #tpu.memory_space<vmem>>, %arg3: memref<32768xf32, #tpu.memory_space<vmem>>) attributes {dimension_semantics = [#tpu.dimension_semantics<arbitrary>], iteration_bounds = array<i64: 31>, scalar_prefetch = 0 : i64, scratch_operands = 0 : i64, tpu.core_type = #tpu.core_type<tc>, window_params = [{transform_indices = @transform_0, window_bounds = array<i64: 64, 32768>}, {pipeline_mode = #tpu.pipeline_mode<synchronous>, transform_indices = @transform_1, window_bounds = array<i64: 1, 64>}, {transform_indices = @transform_2, window_bounds = array<i64: 32768>}]} {
    %get3A = arith.constant 0 : index
    %get3A_0 = arith.constant 0 : index
    %get3A_1 = vector.load %arg1[%get3A, %get3A_0] : memref<64x32768xf32, #tpu.memory_space<vmem>>, vector<64x32768xf32>
    %get3A_2 = arith.constant 0 : index
    %get3A_3 = arith.constant 0 : index
    %get3A_4 = vector.load %arg2[%get3A_2, %get3A_3] : memref<1x64xf32, #tpu.memory_space<vmem>>, vector<1x64xf32>
    %dot_general3A = arith.constant dense<0.000000e+00> : vector<1x32768xf32>
    %dot_general3A_5 = tpu.matmul %get3A_4, %get3A_1, %dot_general3A {dimension_numbers = #tpu.dot_dimension_numbers<[1], [0], [0], [1], [0, 0, 1, 1], [], []>, transpose_lhs_hint = false} : vector<1x64xf32>, vector<64x32768xf32>, vector<1x32768xf32> -> vector<1x32768xf32>
    %squeeze3A = vector.shape_cast %dot_general3A_5 : vector<1x32768xf32> to vector<32768xf32>
    %swap3A = arith.constant 0 : index
    %swap3A_6 = vector.load %arg3[%swap3A] : memref<32768xf32, #tpu.memory_space<vmem>>, vector<32768xf32>
    tpu.vector_store %arg3[%swap3A], %squeeze3A {strides = array<i32>} : memref<32768xf32, #tpu.memory_space<vmem>>, vector<32768xf32>,
    return
  }
  func.func @transform_0(%arg0: i32) -> (i32, i32) {
    %c0_i32 = arith.constant 0 : i32
    %c0_i32_0 = arith.constant 0 : i32
    return %c0_i32, %arg0 : i32, i32
  }
  func.func @transform_1(%arg0: i32) -> (i32, i32) {
    %c0_i32 = arith.constant 0 : i32
    %c0_i32_0 = arith.constant 0 : i32
    %c0_i32_1 = arith.constant 0 : i32
    return %c0_i32, %c0_i32_0 : i32, i32
  }
  func.func @transform_2(%arg0: i32) -> i32 {
    %c0_i32 = arith.constant 0 : i32
    return %arg0 : i32
  }
}

module attributes {stable_mosaic.version = 14 : i64} {
  func.func @_pool_body(%arg0: i32, %arg1: memref<819200xf32, #tpu.memory_space<vmem>>, %arg2: memref<819200xi32, #tpu.memory_space<vmem>>, %arg3: memref<1x1xf32, #tpu.memory_space<vmem>>, %arg4: memref<16384xf32, #tpu.memory_space<vmem>>, %arg5: memref<16384xf32, #tpu.memory_space<vmem>>, %arg6: memref<16384xf32, #tpu.memory_space<vmem>>) attributes {dimension_semantics = [#tpu.dimension_semantics<arbitrary>], iteration_bounds = array<i64: 4>, scalar_prefetch = 0 : i64, scratch_operands = 2 : i64, tpu.core_type = #tpu.core_type<tc>, window_params = [{transform_indices = @transform_0, window_bounds = array<i64: 819200>}, {transform_indices = @transform_1, window_bounds = array<i64: 819200>}, {pipeline_mode = #tpu.pipeline_mode<synchronous>, transform_indices = @transform_2, window_bounds = array<i64: 1, 1>}, {pipeline_mode = #tpu.pipeline_mode<synchronous>, transform_indices = @transform_3, window_bounds = array<i64: 16384>}]} {
    %eq3A = arith.constant 0 : i32
    %eq3A_0 = arith.cmpi eq, %arg0, %eq3A : i32
    %convert_element_type3A = arith.extui %eq3A_0 : i1 to i32
    %cond3A = arith.constant 0 : i32
    %cond3A_1 = arith.cmpi ne, %convert_element_type3A, %cond3A : i32
    scf.if %cond3A_1 {
      %broadcast_in_dim3A = arith.constant 0.000000e+00 : f32
      %broadcast_in_dim3A_315 = vector.broadcast %broadcast_in_dim3A : f32 to vector<16384xf32>
      %swap3A_316 = arith.constant 0 : index
      %swap3A_317 = vector.load %arg5[%swap3A_316] : memref<16384xf32, #tpu.memory_space<vmem>>, vector<16384xf32>
      tpu.vector_store %arg5[%swap3A_316], %broadcast_in_dim3A_315 {strides = array<i32>} : memref<16384xf32, #tpu.memory_space<vmem>>, vector<16384xf32>,
      %broadcast_in_dim3A_318 = arith.constant 0.000000e+00 : f32
      %broadcast_in_dim3A_319 = vector.broadcast %broadcast_in_dim3A_318 : f32 to vector<16384xf32>
      %swap3A_320 = arith.constant 0 : index
      %swap3A_321 = vector.load %arg6[%swap3A_320] : memref<16384xf32, #tpu.memory_space<vmem>>, vector<16384xf32>
      tpu.vector_store %arg6[%swap3A_320], %broadcast_in_dim3A_319 {strides = array<i32>} : memref<16384xf32, #tpu.memory_space<vmem>>, vector<16384xf32>,
    } else {
    }
    %get3A = arith.constant 0 : index
    %get3A_2 = vector.load %arg1[%get3A] : memref<819200xf32, #tpu.memory_space<vmem>>, vector<819200xf32>
    %get3A_3 = arith.constant 0 : index
    %get3A_4 = vector.load %arg2[%get3A_3] : memref<819200xi32, #tpu.memory_space<vmem>>, vector<819200xi32>
    %convert_element_type3A_5 = arith.sitofp %get3A_4 : vector<819200xi32> to vector<819200xf32>
    %get3A_6 = arith.constant 0 : index
    %get3A_7 = vector.load %arg5[%get3A_6] : memref<16384xf32, #tpu.memory_space<vmem>>, vector<16384xf32>
    %get3A_8 = arith.constant 0 : index
    %get3A_9 = vector.load %arg6[%get3A_8] : memref<16384xf32, #tpu.memory_space<vmem>>, vector<16384xf32>
    %slice3A = vector.extract_strided_slice %get3A_2 {offsets = [0], sizes = [16384], strides = [1]} : vector<819200xf32> to vector<16384xf32>
    %slice3A_10 = vector.extract_strided_slice %convert_element_type3A_5 {offsets = [0], sizes = [16384], strides = [1]} : vector<819200xf32> to vector<16384xf32>
    %mul3A = arith.mulf %slice3A, %slice3A_10 : vector<16384xf32>
    %add3A = arith.addf %get3A_7, %mul3A : vector<16384xf32>
    %slice3A_11 = vector.extract_strided_slice %convert_element_type3A_5 {offsets = [0], sizes = [16384], strides = [1]} : vector<819200xf32> to vector<16384xf32>
    %add3A_12 = arith.addf %get3A_9, %slice3A_11 : vector<16384xf32>
    %slice3A_13 = vector.extract_strided_slice %get3A_2 {offsets = [16384], sizes = [16384], strides = [1]} : vector<819200xf32> to vector<16384xf32>
    %slice3A_14 = vector.extract_strided_slice %convert_element_type3A_5 {offsets = [16384], sizes = [16384], strides = [1]} : vector<819200xf32> to vector<16384xf32>
    %mul3A_15 = arith.mulf %slice3A_13, %slice3A_14 : vector<16384xf32>
    %add3A_16 = arith.addf %add3A, %mul3A_15 : vector<16384xf32>
    %slice3A_17 = vector.extract_strided_slice %convert_element_type3A_5 {offsets = [16384], sizes = [16384], strides = [1]} : vector<819200xf32> to vector<16384xf32>
    %add3A_18 = arith.addf %add3A_12, %slice3A_17 : vector<16384xf32>
    %slice3A_19 = vector.extract_strided_slice %get3A_2 {offsets = [32768], sizes = [16384], strides = [1]} : vector<819200xf32> to vector<16384xf32>
    %slice3A_20 = vector.extract_strided_slice %convert_element_type3A_5 {offsets = [32768], sizes = [16384], strides = [1]} : vector<819200xf32> to vector<16384xf32>
    %mul3A_21 = arith.mulf %slice3A_19, %slice3A_20 : vector<16384xf32>
    %add3A_22 = arith.addf %add3A_16, %mul3A_21 : vector<16384xf32>
    %slice3A_23 = vector.extract_strided_slice %convert_element_type3A_5 {offsets = [32768], sizes = [16384], strides = [1]} : vector<819200xf32> to vector<16384xf32>
    %add3A_24 = arith.addf %add3A_18, %slice3A_23 : vector<16384xf32>
    %slice3A_25 = vector.extract_strided_slice %get3A_2 {offsets = [49152], sizes = [16384], strides = [1]} : vector<819200xf32> to vector<16384xf32>
    %slice3A_26 = vector.extract_strided_slice %convert_element_type3A_5 {offsets = [49152], sizes = [16384], strides = [1]} : vector<819200xf32> to vector<16384xf32>
    %mul3A_27 = arith.mulf %slice3A_25, %slice3A_26 : vector<16384xf32>
    %add3A_28 = arith.addf %add3A_22, %mul3A_27 : vector<16384xf32>
    %slice3A_29 = vector.extract_strided_slice %convert_element_type3A_5 {offsets = [49152], sizes = [16384], strides = [1]} : vector<819200xf32> to vector<16384xf32>
    %add3A_30 = arith.addf %add3A_24, %slice3A_29 : vector<16384xf32>
    %slice3A_31 = vector.extract_strided_slice %get3A_2 {offsets = [65536], sizes = [16384], strides = [1]} : vector<819200xf32> to vector<16384xf32>
    %slice3A_32 = vector.extract_strided_slice %convert_element_type3A_5 {offsets = [65536], sizes = [16384], strides = [1]} : vector<819200xf32> to vector<16384xf32>
    %mul3A_33 = arith.mulf %slice3A_31, %slice3A_32 : vector<16384xf32>
    %add3A_34 = arith.addf %add3A_28, %mul3A_33 : vector<16384xf32>
    %slice3A_35 = vector.extract_strided_slice %convert_element_type3A_5 {offsets = [65536], sizes = [16384], strides = [1]} : vector<819200xf32> to vector<16384xf32>
    %add3A_36 = arith.addf %add3A_30, %slice3A_35 : vector<16384xf32>
    %slice3A_37 = vector.extract_strided_slice %get3A_2 {offsets = [81920], sizes = [16384], strides = [1]} : vector<819200xf32> to vector<16384xf32>
    %slice3A_38 = vector.extract_strided_slice %convert_element_type3A_5 {offsets = [81920], sizes = [16384], strides = [1]} : vector<819200xf32> to vector<16384xf32>
    %mul3A_39 = arith.mulf %slice3A_37, %slice3A_38 : vector<16384xf32>
    %add3A_40 = arith.addf %add3A_34, %mul3A_39 : vector<16384xf32>
    %slice3A_41 = vector.extract_strided_slice %convert_element_type3A_5 {offsets = [81920], sizes = [16384], strides = [1]} : vector<819200xf32> to vector<16384xf32>
    %add3A_42 = arith.addf %add3A_36, %slice3A_41 : vector<16384xf32>
    %slice3A_43 = vector.extract_strided_slice %get3A_2 {offsets = [98304], sizes = [16384], strides = [1]} : vector<819200xf32> to vector<16384xf32>
    %slice3A_44 = vector.extract_strided_slice %convert_element_type3A_5 {offsets = [98304], sizes = [16384], strides = [1]} : vector<819200xf32> to vector<16384xf32>
    %mul3A_45 = arith.mulf %slice3A_43, %slice3A_44 : vector<16384xf32>
    %add3A_46 = arith.addf %add3A_40, %mul3A_45 : vector<16384xf32>
    %slice3A_47 = vector.extract_strided_slice %convert_element_type3A_5 {offsets = [98304], sizes = [16384], strides = [1]} : vector<819200xf32> to vector<16384xf32>
    %add3A_48 = arith.addf %add3A_42, %slice3A_47 : vector<16384xf32>
    %slice3A_49 = vector.extract_strided_slice %get3A_2 {offsets = [114688], sizes = [16384], strides = [1]} : vector<819200xf32> to vector<16384xf32>
    %slice3A_50 = vector.extract_strided_slice %convert_element_type3A_5 {offsets = [114688], sizes = [16384], strides = [1]} : vector<819200xf32> to vector<16384xf32>
    %mul3A_51 = arith.mulf %slice3A_49, %slice3A_50 : vector<16384xf32>
    %add3A_52 = arith.addf %add3A_46, %mul3A_51 : vector<16384xf32>
    %slice3A_53 = vector.extract_strided_slice %convert_element_type3A_5 {offsets = [114688], sizes = [16384], strides = [1]} : vector<819200xf32> to vector<16384xf32>
    %add3A_54 = arith.addf %add3A_48, %slice3A_53 : vector<16384xf32>
    %slice3A_55 = vector.extract_strided_slice %get3A_2 {offsets = [131072], sizes = [16384], strides = [1]} : vector<819200xf32> to vector<16384xf32>
    %slice3A_56 = vector.extract_strided_slice %convert_element_type3A_5 {offsets = [131072], sizes = [16384], strides = [1]} : vector<819200xf32> to vector<16384xf32>
    %mul3A_57 = arith.mulf %slice3A_55, %slice3A_56 : vector<16384xf32>
    %add3A_58 = arith.addf %add3A_52, %mul3A_57 : vector<16384xf32>
    %slice3A_59 = vector.extract_strided_slice %convert_element_type3A_5 {offsets = [131072], sizes = [16384], strides = [1]} : vector<819200xf32> to vector<16384xf32>
    %add3A_60 = arith.addf %add3A_54, %slice3A_59 : vector<16384xf32>
    %slice3A_61 = vector.extract_strided_slice %get3A_2 {offsets = [147456], sizes = [16384], strides = [1]} : vector<819200xf32> to vector<16384xf32>
    %slice3A_62 = vector.extract_strided_slice %convert_element_type3A_5 {offsets = [147456], sizes = [16384], strides = [1]} : vector<819200xf32> to vector<16384xf32>
    %mul3A_63 = arith.mulf %slice3A_61, %slice3A_62 : vector<16384xf32>
    %add3A_64 = arith.addf %add3A_58, %mul3A_63 : vector<16384xf32>
    %slice3A_65 = vector.extract_strided_slice %convert_element_type3A_5 {offsets = [147456], sizes = [16384], strides = [1]} : vector<819200xf32> to vector<16384xf32>
    %add3A_66 = arith.addf %add3A_60, %slice3A_65 : vector<16384xf32>
    %slice3A_67 = vector.extract_strided_slice %get3A_2 {offsets = [163840], sizes = [16384], strides = [1]} : vector<819200xf32> to vector<16384xf32>
    %slice3A_68 = vector.extract_strided_slice %convert_element_type3A_5 {offsets = [163840], sizes = [16384], strides = [1]} : vector<819200xf32> to vector<16384xf32>
    %mul3A_69 = arith.mulf %slice3A_67, %slice3A_68 : vector<16384xf32>
    %add3A_70 = arith.addf %add3A_64, %mul3A_69 : vector<16384xf32>
    %slice3A_71 = vector.extract_strided_slice %convert_element_type3A_5 {offsets = [163840], sizes = [16384], strides = [1]} : vector<819200xf32> to vector<16384xf32>
    %add3A_72 = arith.addf %add3A_66, %slice3A_71 : vector<16384xf32>
    %slice3A_73 = vector.extract_strided_slice %get3A_2 {offsets = [180224], sizes = [16384], strides = [1]} : vector<819200xf32> to vector<16384xf32>
    %slice3A_74 = vector.extract_strided_slice %convert_element_type3A_5 {offsets = [180224], sizes = [16384], strides = [1]} : vector<819200xf32> to vector<16384xf32>
    %mul3A_75 = arith.mulf %slice3A_73, %slice3A_74 : vector<16384xf32>
    %add3A_76 = arith.addf %add3A_70, %mul3A_75 : vector<16384xf32>
    %slice3A_77 = vector.extract_strided_slice %convert_element_type3A_5 {offsets = [180224], sizes = [16384], strides = [1]} : vector<819200xf32> to vector<16384xf32>
    %add3A_78 = arith.addf %add3A_72, %slice3A_77 : vector<16384xf32>
    %slice3A_79 = vector.extract_strided_slice %get3A_2 {offsets = [196608], sizes = [16384], strides = [1]} : vector<819200xf32> to vector<16384xf32>
    %slice3A_80 = vector.extract_strided_slice %convert_element_type3A_5 {offsets = [196608], sizes = [16384], strides = [1]} : vector<819200xf32> to vector<16384xf32>
    %mul3A_81 = arith.mulf %slice3A_79, %slice3A_80 : vector<16384xf32>
    %add3A_82 = arith.addf %add3A_76, %mul3A_81 : vector<16384xf32>
    %slice3A_83 = vector.extract_strided_slice %convert_element_type3A_5 {offsets = [196608], sizes = [16384], strides = [1]} : vector<819200xf32> to vector<16384xf32>
    %add3A_84 = arith.addf %add3A_78, %slice3A_83 : vector<16384xf32>
    %slice3A_85 = vector.extract_strided_slice %get3A_2 {offsets = [212992], sizes = [16384], strides = [1]} : vector<819200xf32> to vector<16384xf32>
    %slice3A_86 = vector.extract_strided_slice %convert_element_type3A_5 {offsets = [212992], sizes = [16384], strides = [1]} : vector<819200xf32> to vector<16384xf32>
    %mul3A_87 = arith.mulf %slice3A_85, %slice3A_86 : vector<16384xf32>
    %add3A_88 = arith.addf %add3A_82, %mul3A_87 : vector<16384xf32>
    %slice3A_89 = vector.extract_strided_slice %convert_element_type3A_5 {offsets = [212992], sizes = [16384], strides = [1]} : vector<819200xf32> to vector<16384xf32>
    %add3A_90 = arith.addf %add3A_84, %slice3A_89 : vector<16384xf32>
    %slice3A_91 = vector.extract_strided_slice %get3A_2 {offsets = [229376], sizes = [16384], strides = [1]} : vector<819200xf32> to vector<16384xf32>
    %slice3A_92 = vector.extract_strided_slice %convert_element_type3A_5 {offsets = [229376], sizes = [16384], strides = [1]} : vector<819200xf32> to vector<16384xf32>
    %mul3A_93 = arith.mulf %slice3A_91, %slice3A_92 : vector<16384xf32>
    %add3A_94 = arith.addf %add3A_88, %mul3A_93 : vector<16384xf32>
    %slice3A_95 = vector.extract_strided_slice %convert_element_type3A_5 {offsets = [229376], sizes = [16384], strides = [1]} : vector<819200xf32> to vector<16384xf32>
    %add3A_96 = arith.addf %add3A_90, %slice3A_95 : vector<16384xf32>
    %slice3A_97 = vector.extract_strided_slice %get3A_2 {offsets = [245760], sizes = [16384], strides = [1]} : vector<819200xf32> to vector<16384xf32>
    %slice3A_98 = vector.extract_strided_slice %convert_element_type3A_5 {offsets = [245760], sizes = [16384], strides = [1]} : vector<819200xf32> to vector<16384xf32>
    %mul3A_99 = arith.mulf %slice3A_97, %slice3A_98 : vector<16384xf32>
    %add3A_100 = arith.addf %add3A_94, %mul3A_99 : vector<16384xf32>
    %slice3A_101 = vector.extract_strided_slice %convert_element_type3A_5 {offsets = [245760], sizes = [16384], strides = [1]} : vector<819200xf32> to vector<16384xf32>
    %add3A_102 = arith.addf %add3A_96, %slice3A_101 : vector<16384xf32>
    %slice3A_103 = vector.extract_strided_slice %get3A_2 {offsets = [262144], sizes = [16384], strides = [1]} : vector<819200xf32> to vector<16384xf32>
    %slice3A_104 = vector.extract_strided_slice %convert_element_type3A_5 {offsets = [262144], sizes = [16384], strides = [1]} : vector<819200xf32> to vector<16384xf32>
    %mul3A_105 = arith.mulf %slice3A_103, %slice3A_104 : vector<16384xf32>
    %add3A_106 = arith.addf %add3A_100, %mul3A_105 : vector<16384xf32>
    %slice3A_107 = vector.extract_strided_slice %convert_element_type3A_5 {offsets = [262144], sizes = [16384], strides = [1]} : vector<819200xf32> to vector<16384xf32>
    %add3A_108 = arith.addf %add3A_102, %slice3A_107 : vector<16384xf32>
    %slice3A_109 = vector.extract_strided_slice %get3A_2 {offsets = [278528], sizes = [16384], strides = [1]} : vector<819200xf32> to vector<16384xf32>
    %slice3A_110 = vector.extract_strided_slice %convert_element_type3A_5 {offsets = [278528], sizes = [16384], strides = [1]} : vector<819200xf32> to vector<16384xf32>
    %mul3A_111 = arith.mulf %slice3A_109, %slice3A_110 : vector<16384xf32>
    %add3A_112 = arith.addf %add3A_106, %mul3A_111 : vector<16384xf32>
    %slice3A_113 = vector.extract_strided_slice %convert_element_type3A_5 {offsets = [278528], sizes = [16384], strides = [1]} : vector<819200xf32> to vector<16384xf32>
    %add3A_114 = arith.addf %add3A_108, %slice3A_113 : vector<16384xf32>
    %slice3A_115 = vector.extract_strided_slice %get3A_2 {offsets = [294912], sizes = [16384], strides = [1]} : vector<819200xf32> to vector<16384xf32>
    %slice3A_116 = vector.extract_strided_slice %convert_element_type3A_5 {offsets = [294912], sizes = [16384], strides = [1]} : vector<819200xf32> to vector<16384xf32>
    %mul3A_117 = arith.mulf %slice3A_115, %slice3A_116 : vector<16384xf32>
    %add3A_118 = arith.addf %add3A_112, %mul3A_117 : vector<16384xf32>
    %slice3A_119 = vector.extract_strided_slice %convert_element_type3A_5 {offsets = [294912], sizes = [16384], strides = [1]} : vector<819200xf32> to vector<16384xf32>
    %add3A_120 = arith.addf %add3A_114, %slice3A_119 : vector<16384xf32>
    %slice3A_121 = vector.extract_strided_slice %get3A_2 {offsets = [311296], sizes = [16384], strides = [1]} : vector<819200xf32> to vector<16384xf32>
    %slice3A_122 = vector.extract_strided_slice %convert_element_type3A_5 {offsets = [311296], sizes = [16384], strides = [1]} : vector<819200xf32> to vector<16384xf32>
    %mul3A_123 = arith.mulf %slice3A_121, %slice3A_122 : vector<16384xf32>
    %add3A_124 = arith.addf %add3A_118, %mul3A_123 : vector<16384xf32>
    %slice3A_125 = vector.extract_strided_slice %convert_element_type3A_5 {offsets = [311296], sizes = [16384], strides = [1]} : vector<819200xf32> to vector<16384xf32>
    %add3A_126 = arith.addf %add3A_120, %slice3A_125 : vector<16384xf32>
    %slice3A_127 = vector.extract_strided_slice %get3A_2 {offsets = [327680], sizes = [16384], strides = [1]} : vector<819200xf32> to vector<16384xf32>
    %slice3A_128 = vector.extract_strided_slice %convert_element_type3A_5 {offsets = [327680], sizes = [16384], strides = [1]} : vector<819200xf32> to vector<16384xf32>
    %mul3A_129 = arith.mulf %slice3A_127, %slice3A_128 : vector<16384xf32>
    %add3A_130 = arith.addf %add3A_124, %mul3A_129 : vector<16384xf32>
    %slice3A_131 = vector.extract_strided_slice %convert_element_type3A_5 {offsets = [327680], sizes = [16384], strides = [1]} : vector<819200xf32> to vector<16384xf32>
    %add3A_132 = arith.addf %add3A_126, %slice3A_131 : vector<16384xf32>
    %slice3A_133 = vector.extract_strided_slice %get3A_2 {offsets = [344064], sizes = [16384], strides = [1]} : vector<819200xf32> to vector<16384xf32>
    %slice3A_134 = vector.extract_strided_slice %convert_element_type3A_5 {offsets = [344064], sizes = [16384], strides = [1]} : vector<819200xf32> to vector<16384xf32>
    %mul3A_135 = arith.mulf %slice3A_133, %slice3A_134 : vector<16384xf32>
    %add3A_136 = arith.addf %add3A_130, %mul3A_135 : vector<16384xf32>
    %slice3A_137 = vector.extract_strided_slice %convert_element_type3A_5 {offsets = [344064], sizes = [16384], strides = [1]} : vector<819200xf32> to vector<16384xf32>
    %add3A_138 = arith.addf %add3A_132, %slice3A_137 : vector<16384xf32>
    %slice3A_139 = vector.extract_strided_slice %get3A_2 {offsets = [360448], sizes = [16384], strides = [1]} : vector<819200xf32> to vector<16384xf32>
    %slice3A_140 = vector.extract_strided_slice %convert_element_type3A_5 {offsets = [360448], sizes = [16384], strides = [1]} : vector<819200xf32> to vector<16384xf32>
    %mul3A_141 = arith.mulf %slice3A_139, %slice3A_140 : vector<16384xf32>
    %add3A_142 = arith.addf %add3A_136, %mul3A_141 : vector<16384xf32>
    %slice3A_143 = vector.extract_strided_slice %convert_element_type3A_5 {offsets = [360448], sizes = [16384], strides = [1]} : vector<819200xf32> to vector<16384xf32>
    %add3A_144 = arith.addf %add3A_138, %slice3A_143 : vector<16384xf32>
    %slice3A_145 = vector.extract_strided_slice %get3A_2 {offsets = [376832], sizes = [16384], strides = [1]} : vector<819200xf32> to vector<16384xf32>
    %slice3A_146 = vector.extract_strided_slice %convert_element_type3A_5 {offsets = [376832], sizes = [16384], strides = [1]} : vector<819200xf32> to vector<16384xf32>
    %mul3A_147 = arith.mulf %slice3A_145, %slice3A_146 : vector<16384xf32>
    %add3A_148 = arith.addf %add3A_142, %mul3A_147 : vector<16384xf32>
    %slice3A_149 = vector.extract_strided_slice %convert_element_type3A_5 {offsets = [376832], sizes = [16384], strides = [1]} : vector<819200xf32> to vector<16384xf32>
    %add3A_150 = arith.addf %add3A_144, %slice3A_149 : vector<16384xf32>
    %slice3A_151 = vector.extract_strided_slice %get3A_2 {offsets = [393216], sizes = [16384], strides = [1]} : vector<819200xf32> to vector<16384xf32>
    %slice3A_152 = vector.extract_strided_slice %convert_element_type3A_5 {offsets = [393216], sizes = [16384], strides = [1]} : vector<819200xf32> to vector<16384xf32>
    %mul3A_153 = arith.mulf %slice3A_151, %slice3A_152 : vector<16384xf32>
    %add3A_154 = arith.addf %add3A_148, %mul3A_153 : vector<16384xf32>
    %slice3A_155 = vector.extract_strided_slice %convert_element_type3A_5 {offsets = [393216], sizes = [16384], strides = [1]} : vector<819200xf32> to vector<16384xf32>
    %add3A_156 = arith.addf %add3A_150, %slice3A_155 : vector<16384xf32>
    %slice3A_157 = vector.extract_strided_slice %get3A_2 {offsets = [409600], sizes = [16384], strides = [1]} : vector<819200xf32> to vector<16384xf32>
    %slice3A_158 = vector.extract_strided_slice %convert_element_type3A_5 {offsets = [409600], sizes = [16384], strides = [1]} : vector<819200xf32> to vector<16384xf32>
    %mul3A_159 = arith.mulf %slice3A_157, %slice3A_158 : vector<16384xf32>
    %add3A_160 = arith.addf %add3A_154, %mul3A_159 : vector<16384xf32>
    %slice3A_161 = vector.extract_strided_slice %convert_element_type3A_5 {offsets = [409600], sizes = [16384], strides = [1]} : vector<819200xf32> to vector<16384xf32>
    %add3A_162 = arith.addf %add3A_156, %slice3A_161 : vector<16384xf32>
    %slice3A_163 = vector.extract_strided_slice %get3A_2 {offsets = [425984], sizes = [16384], strides = [1]} : vector<819200xf32> to vector<16384xf32>
    %slice3A_164 = vector.extract_strided_slice %convert_element_type3A_5 {offsets = [425984], sizes = [16384], strides = [1]} : vector<819200xf32> to vector<16384xf32>
    %mul3A_165 = arith.mulf %slice3A_163, %slice3A_164 : vector<16384xf32>
    %add3A_166 = arith.addf %add3A_160, %mul3A_165 : vector<16384xf32>
    %slice3A_167 = vector.extract_strided_slice %convert_element_type3A_5 {offsets = [425984], sizes = [16384], strides = [1]} : vector<819200xf32> to vector<16384xf32>
    %add3A_168 = arith.addf %add3A_162, %slice3A_167 : vector<16384xf32>
    %slice3A_169 = vector.extract_strided_slice %get3A_2 {offsets = [442368], sizes = [16384], strides = [1]} : vector<819200xf32> to vector<16384xf32>
    %slice3A_170 = vector.extract_strided_slice %convert_element_type3A_5 {offsets = [442368], sizes = [16384], strides = [1]} : vector<819200xf32> to vector<16384xf32>
    %mul3A_171 = arith.mulf %slice3A_169, %slice3A_170 : vector<16384xf32>
    %add3A_172 = arith.addf %add3A_166, %mul3A_171 : vector<16384xf32>
    %slice3A_173 = vector.extract_strided_slice %convert_element_type3A_5 {offsets = [442368], sizes = [16384], strides = [1]} : vector<819200xf32> to vector<16384xf32>
    %add3A_174 = arith.addf %add3A_168, %slice3A_173 : vector<16384xf32>
    %slice3A_175 = vector.extract_strided_slice %get3A_2 {offsets = [458752], sizes = [16384], strides = [1]} : vector<819200xf32> to vector<16384xf32>
    %slice3A_176 = vector.extract_strided_slice %convert_element_type3A_5 {offsets = [458752], sizes = [16384], strides = [1]} : vector<819200xf32> to vector<16384xf32>
    %mul3A_177 = arith.mulf %slice3A_175, %slice3A_176 : vector<16384xf32>
    %add3A_178 = arith.addf %add3A_172, %mul3A_177 : vector<16384xf32>
    %slice3A_179 = vector.extract_strided_slice %convert_element_type3A_5 {offsets = [458752], sizes = [16384], strides = [1]} : vector<819200xf32> to vector<16384xf32>
    %add3A_180 = arith.addf %add3A_174, %slice3A_179 : vector<16384xf32>
    %slice3A_181 = vector.extract_strided_slice %get3A_2 {offsets = [475136], sizes = [16384], strides = [1]} : vector<819200xf32> to vector<16384xf32>
    %slice3A_182 = vector.extract_strided_slice %convert_element_type3A_5 {offsets = [475136], sizes = [16384], strides = [1]} : vector<819200xf32> to vector<16384xf32>
    %mul3A_183 = arith.mulf %slice3A_181, %slice3A_182 : vector<16384xf32>
    %add3A_184 = arith.addf %add3A_178, %mul3A_183 : vector<16384xf32>
    %slice3A_185 = vector.extract_strided_slice %convert_element_type3A_5 {offsets = [475136], sizes = [16384], strides = [1]} : vector<819200xf32> to vector<16384xf32>
    %add3A_186 = arith.addf %add3A_180, %slice3A_185 : vector<16384xf32>
    %slice3A_187 = vector.extract_strided_slice %get3A_2 {offsets = [491520], sizes = [16384], strides = [1]} : vector<819200xf32> to vector<16384xf32>
    %slice3A_188 = vector.extract_strided_slice %convert_element_type3A_5 {offsets = [491520], sizes = [16384], strides = [1]} : vector<819200xf32> to vector<16384xf32>
    %mul3A_189 = arith.mulf %slice3A_187, %slice3A_188 : vector<16384xf32>
    %add3A_190 = arith.addf %add3A_184, %mul3A_189 : vector<16384xf32>
    %slice3A_191 = vector.extract_strided_slice %convert_element_type3A_5 {offsets = [491520], sizes = [16384], strides = [1]} : vector<819200xf32> to vector<16384xf32>
    %add3A_192 = arith.addf %add3A_186, %slice3A_191 : vector<16384xf32>
    %slice3A_193 = vector.extract_strided_slice %get3A_2 {offsets = [507904], sizes = [16384], strides = [1]} : vector<819200xf32> to vector<16384xf32>
    %slice3A_194 = vector.extract_strided_slice %convert_element_type3A_5 {offsets = [507904], sizes = [16384], strides = [1]} : vector<819200xf32> to vector<16384xf32>
    %mul3A_195 = arith.mulf %slice3A_193, %slice3A_194 : vector<16384xf32>
    %add3A_196 = arith.addf %add3A_190, %mul3A_195 : vector<16384xf32>
    %slice3A_197 = vector.extract_strided_slice %convert_element_type3A_5 {offsets = [507904], sizes = [16384], strides = [1]} : vector<819200xf32> to vector<16384xf32>
    %add3A_198 = arith.addf %add3A_192, %slice3A_197 : vector<16384xf32>
    %slice3A_199 = vector.extract_strided_slice %get3A_2 {offsets = [524288], sizes = [16384], strides = [1]} : vector<819200xf32> to vector<16384xf32>
    %slice3A_200 = vector.extract_strided_slice %convert_element_type3A_5 {offsets = [524288], sizes = [16384], strides = [1]} : vector<819200xf32> to vector<16384xf32>
    %mul3A_201 = arith.mulf %slice3A_199, %slice3A_200 : vector<16384xf32>
    %add3A_202 = arith.addf %add3A_196, %mul3A_201 : vector<16384xf32>
    %slice3A_203 = vector.extract_strided_slice %convert_element_type3A_5 {offsets = [524288], sizes = [16384], strides = [1]} : vector<819200xf32> to vector<16384xf32>
    %add3A_204 = arith.addf %add3A_198, %slice3A_203 : vector<16384xf32>
    %slice3A_205 = vector.extract_strided_slice %get3A_2 {offsets = [540672], sizes = [16384], strides = [1]} : vector<819200xf32> to vector<16384xf32>
    %slice3A_206 = vector.extract_strided_slice %convert_element_type3A_5 {offsets = [540672], sizes = [16384], strides = [1]} : vector<819200xf32> to vector<16384xf32>
    %mul3A_207 = arith.mulf %slice3A_205, %slice3A_206 : vector<16384xf32>
    %add3A_208 = arith.addf %add3A_202, %mul3A_207 : vector<16384xf32>
    %slice3A_209 = vector.extract_strided_slice %convert_element_type3A_5 {offsets = [540672], sizes = [16384], strides = [1]} : vector<819200xf32> to vector<16384xf32>
    %add3A_210 = arith.addf %add3A_204, %slice3A_209 : vector<16384xf32>
    %slice3A_211 = vector.extract_strided_slice %get3A_2 {offsets = [557056], sizes = [16384], strides = [1]} : vector<819200xf32> to vector<16384xf32>
    %slice3A_212 = vector.extract_strided_slice %convert_element_type3A_5 {offsets = [557056], sizes = [16384], strides = [1]} : vector<819200xf32> to vector<16384xf32>
    %mul3A_213 = arith.mulf %slice3A_211, %slice3A_212 : vector<16384xf32>
    %add3A_214 = arith.addf %add3A_208, %mul3A_213 : vector<16384xf32>
    %slice3A_215 = vector.extract_strided_slice %convert_element_type3A_5 {offsets = [557056], sizes = [16384], strides = [1]} : vector<819200xf32> to vector<16384xf32>
    %add3A_216 = arith.addf %add3A_210, %slice3A_215 : vector<16384xf32>
    %slice3A_217 = vector.extract_strided_slice %get3A_2 {offsets = [573440], sizes = [16384], strides = [1]} : vector<819200xf32> to vector<16384xf32>
    %slice3A_218 = vector.extract_strided_slice %convert_element_type3A_5 {offsets = [573440], sizes = [16384], strides = [1]} : vector<819200xf32> to vector<16384xf32>
    %mul3A_219 = arith.mulf %slice3A_217, %slice3A_218 : vector<16384xf32>
    %add3A_220 = arith.addf %add3A_214, %mul3A_219 : vector<16384xf32>
    %slice3A_221 = vector.extract_strided_slice %convert_element_type3A_5 {offsets = [573440], sizes = [16384], strides = [1]} : vector<819200xf32> to vector<16384xf32>
    %add3A_222 = arith.addf %add3A_216, %slice3A_221 : vector<16384xf32>
    %slice3A_223 = vector.extract_strided_slice %get3A_2 {offsets = [589824], sizes = [16384], strides = [1]} : vector<819200xf32> to vector<16384xf32>
    %slice3A_224 = vector.extract_strided_slice %convert_element_type3A_5 {offsets = [589824], sizes = [16384], strides = [1]} : vector<819200xf32> to vector<16384xf32>
    %mul3A_225 = arith.mulf %slice3A_223, %slice3A_224 : vector<16384xf32>
    %add3A_226 = arith.addf %add3A_220, %mul3A_225 : vector<16384xf32>
    %slice3A_227 = vector.extract_strided_slice %convert_element_type3A_5 {offsets = [589824], sizes = [16384], strides = [1]} : vector<819200xf32> to vector<16384xf32>
    %add3A_228 = arith.addf %add3A_222, %slice3A_227 : vector<16384xf32>
    %slice3A_229 = vector.extract_strided_slice %get3A_2 {offsets = [606208], sizes = [16384], strides = [1]} : vector<819200xf32> to vector<16384xf32>
    %slice3A_230 = vector.extract_strided_slice %convert_element_type3A_5 {offsets = [606208], sizes = [16384], strides = [1]} : vector<819200xf32> to vector<16384xf32>
    %mul3A_231 = arith.mulf %slice3A_229, %slice3A_230 : vector<16384xf32>
    %add3A_232 = arith.addf %add3A_226, %mul3A_231 : vector<16384xf32>
    %slice3A_233 = vector.extract_strided_slice %convert_element_type3A_5 {offsets = [606208], sizes = [16384], strides = [1]} : vector<819200xf32> to vector<16384xf32>
    %add3A_234 = arith.addf %add3A_228, %slice3A_233 : vector<16384xf32>
    %slice3A_235 = vector.extract_strided_slice %get3A_2 {offsets = [622592], sizes = [16384], strides = [1]} : vector<819200xf32> to vector<16384xf32>
    %slice3A_236 = vector.extract_strided_slice %convert_element_type3A_5 {offsets = [622592], sizes = [16384], strides = [1]} : vector<819200xf32> to vector<16384xf32>
    %mul3A_237 = arith.mulf %slice3A_235, %slice3A_236 : vector<16384xf32>
    %add3A_238 = arith.addf %add3A_232, %mul3A_237 : vector<16384xf32>
    %slice3A_239 = vector.extract_strided_slice %convert_element_type3A_5 {offsets = [622592], sizes = [16384], strides = [1]} : vector<819200xf32> to vector<16384xf32>
    %add3A_240 = arith.addf %add3A_234, %slice3A_239 : vector<16384xf32>
    %slice3A_241 = vector.extract_strided_slice %get3A_2 {offsets = [638976], sizes = [16384], strides = [1]} : vector<819200xf32> to vector<16384xf32>
    %slice3A_242 = vector.extract_strided_slice %convert_element_type3A_5 {offsets = [638976], sizes = [16384], strides = [1]} : vector<819200xf32> to vector<16384xf32>
    %mul3A_243 = arith.mulf %slice3A_241, %slice3A_242 : vector<16384xf32>
    %add3A_244 = arith.addf %add3A_238, %mul3A_243 : vector<16384xf32>
    %slice3A_245 = vector.extract_strided_slice %convert_element_type3A_5 {offsets = [638976], sizes = [16384], strides = [1]} : vector<819200xf32> to vector<16384xf32>
    %add3A_246 = arith.addf %add3A_240, %slice3A_245 : vector<16384xf32>
    %slice3A_247 = vector.extract_strided_slice %get3A_2 {offsets = [655360], sizes = [16384], strides = [1]} : vector<819200xf32> to vector<16384xf32>
    %slice3A_248 = vector.extract_strided_slice %convert_element_type3A_5 {offsets = [655360], sizes = [16384], strides = [1]} : vector<819200xf32> to vector<16384xf32>
    %mul3A_249 = arith.mulf %slice3A_247, %slice3A_248 : vector<16384xf32>
    %add3A_250 = arith.addf %add3A_244, %mul3A_249 : vector<16384xf32>
    %slice3A_251 = vector.extract_strided_slice %convert_element_type3A_5 {offsets = [655360], sizes = [16384], strides = [1]} : vector<819200xf32> to vector<16384xf32>
    %add3A_252 = arith.addf %add3A_246, %slice3A_251 : vector<16384xf32>
    %slice3A_253 = vector.extract_strided_slice %get3A_2 {offsets = [671744], sizes = [16384], strides = [1]} : vector<819200xf32> to vector<16384xf32>
    %slice3A_254 = vector.extract_strided_slice %convert_element_type3A_5 {offsets = [671744], sizes = [16384], strides = [1]} : vector<819200xf32> to vector<16384xf32>
    %mul3A_255 = arith.mulf %slice3A_253, %slice3A_254 : vector<16384xf32>
    %add3A_256 = arith.addf %add3A_250, %mul3A_255 : vector<16384xf32>
    %slice3A_257 = vector.extract_strided_slice %convert_element_type3A_5 {offsets = [671744], sizes = [16384], strides = [1]} : vector<819200xf32> to vector<16384xf32>
    %add3A_258 = arith.addf %add3A_252, %slice3A_257 : vector<16384xf32>
    %slice3A_259 = vector.extract_strided_slice %get3A_2 {offsets = [688128], sizes = [16384], strides = [1]} : vector<819200xf32> to vector<16384xf32>
    %slice3A_260 = vector.extract_strided_slice %convert_element_type3A_5 {offsets = [688128], sizes = [16384], strides = [1]} : vector<819200xf32> to vector<16384xf32>
    %mul3A_261 = arith.mulf %slice3A_259, %slice3A_260 : vector<16384xf32>
    %add3A_262 = arith.addf %add3A_256, %mul3A_261 : vector<16384xf32>
    %slice3A_263 = vector.extract_strided_slice %convert_element_type3A_5 {offsets = [688128], sizes = [16384], strides = [1]} : vector<819200xf32> to vector<16384xf32>
    %add3A_264 = arith.addf %add3A_258, %slice3A_263 : vector<16384xf32>
    %slice3A_265 = vector.extract_strided_slice %get3A_2 {offsets = [704512], sizes = [16384], strides = [1]} : vector<819200xf32> to vector<16384xf32>
    %slice3A_266 = vector.extract_strided_slice %convert_element_type3A_5 {offsets = [704512], sizes = [16384], strides = [1]} : vector<819200xf32> to vector<16384xf32>
    %mul3A_267 = arith.mulf %slice3A_265, %slice3A_266 : vector<16384xf32>
    %add3A_268 = arith.addf %add3A_262, %mul3A_267 : vector<16384xf32>
    %slice3A_269 = vector.extract_strided_slice %convert_element_type3A_5 {offsets = [704512], sizes = [16384], strides = [1]} : vector<819200xf32> to vector<16384xf32>
    %add3A_270 = arith.addf %add3A_264, %slice3A_269 : vector<16384xf32>
    %slice3A_271 = vector.extract_strided_slice %get3A_2 {offsets = [720896], sizes = [16384], strides = [1]} : vector<819200xf32> to vector<16384xf32>
    %slice3A_272 = vector.extract_strided_slice %convert_element_type3A_5 {offsets = [720896], sizes = [16384], strides = [1]} : vector<819200xf32> to vector<16384xf32>
    %mul3A_273 = arith.mulf %slice3A_271, %slice3A_272 : vector<16384xf32>
    %add3A_274 = arith.addf %add3A_268, %mul3A_273 : vector<16384xf32>
    %slice3A_275 = vector.extract_strided_slice %convert_element_type3A_5 {offsets = [720896], sizes = [16384], strides = [1]} : vector<819200xf32> to vector<16384xf32>
    %add3A_276 = arith.addf %add3A_270, %slice3A_275 : vector<16384xf32>
    %slice3A_277 = vector.extract_strided_slice %get3A_2 {offsets = [737280], sizes = [16384], strides = [1]} : vector<819200xf32> to vector<16384xf32>
    %slice3A_278 = vector.extract_strided_slice %convert_element_type3A_5 {offsets = [737280], sizes = [16384], strides = [1]} : vector<819200xf32> to vector<16384xf32>
    %mul3A_279 = arith.mulf %slice3A_277, %slice3A_278 : vector<16384xf32>
    %add3A_280 = arith.addf %add3A_274, %mul3A_279 : vector<16384xf32>
    %slice3A_281 = vector.extract_strided_slice %convert_element_type3A_5 {offsets = [737280], sizes = [16384], strides = [1]} : vector<819200xf32> to vector<16384xf32>
    %add3A_282 = arith.addf %add3A_276, %slice3A_281 : vector<16384xf32>
    %slice3A_283 = vector.extract_strided_slice %get3A_2 {offsets = [753664], sizes = [16384], strides = [1]} : vector<819200xf32> to vector<16384xf32>
    %slice3A_284 = vector.extract_strided_slice %convert_element_type3A_5 {offsets = [753664], sizes = [16384], strides = [1]} : vector<819200xf32> to vector<16384xf32>
    %mul3A_285 = arith.mulf %slice3A_283, %slice3A_284 : vector<16384xf32>
    %add3A_286 = arith.addf %add3A_280, %mul3A_285 : vector<16384xf32>
    %slice3A_287 = vector.extract_strided_slice %convert_element_type3A_5 {offsets = [753664], sizes = [16384], strides = [1]} : vector<819200xf32> to vector<16384xf32>
    %add3A_288 = arith.addf %add3A_282, %slice3A_287 : vector<16384xf32>
    %slice3A_289 = vector.extract_strided_slice %get3A_2 {offsets = [770048], sizes = [16384], strides = [1]} : vector<819200xf32> to vector<16384xf32>
    %slice3A_290 = vector.extract_strided_slice %convert_element_type3A_5 {offsets = [770048], sizes = [16384], strides = [1]} : vector<819200xf32> to vector<16384xf32>
    %mul3A_291 = arith.mulf %slice3A_289, %slice3A_290 : vector<16384xf32>
    %add3A_292 = arith.addf %add3A_286, %mul3A_291 : vector<16384xf32>
    %slice3A_293 = vector.extract_strided_slice %convert_element_type3A_5 {offsets = [770048], sizes = [16384], strides = [1]} : vector<819200xf32> to vector<16384xf32>
    %add3A_294 = arith.addf %add3A_288, %slice3A_293 : vector<16384xf32>
    %slice3A_295 = vector.extract_strided_slice %get3A_2 {offsets = [786432], sizes = [16384], strides = [1]} : vector<819200xf32> to vector<16384xf32>
    %slice3A_296 = vector.extract_strided_slice %convert_element_type3A_5 {offsets = [786432], sizes = [16384], strides = [1]} : vector<819200xf32> to vector<16384xf32>
    %mul3A_297 = arith.mulf %slice3A_295, %slice3A_296 : vector<16384xf32>
    %add3A_298 = arith.addf %add3A_292, %mul3A_297 : vector<16384xf32>
    %slice3A_299 = vector.extract_strided_slice %convert_element_type3A_5 {offsets = [786432], sizes = [16384], strides = [1]} : vector<819200xf32> to vector<16384xf32>
    %add3A_300 = arith.addf %add3A_294, %slice3A_299 : vector<16384xf32>
    %slice3A_301 = vector.extract_strided_slice %get3A_2 {offsets = [802816], sizes = [16384], strides = [1]} : vector<819200xf32> to vector<16384xf32>
    %slice3A_302 = vector.extract_strided_slice %convert_element_type3A_5 {offsets = [802816], sizes = [16384], strides = [1]} : vector<819200xf32> to vector<16384xf32>
    %mul3A_303 = arith.mulf %slice3A_301, %slice3A_302 : vector<16384xf32>
    %add3A_304 = arith.addf %add3A_298, %mul3A_303 : vector<16384xf32>
    %slice3A_305 = vector.extract_strided_slice %convert_element_type3A_5 {offsets = [802816], sizes = [16384], strides = [1]} : vector<819200xf32> to vector<16384xf32>
    %add3A_306 = arith.addf %add3A_300, %slice3A_305 : vector<16384xf32>
    %swap3A = arith.constant 0 : index
    %swap3A_307 = vector.load %arg5[%swap3A] : memref<16384xf32, #tpu.memory_space<vmem>>, vector<16384xf32>
    tpu.vector_store %arg5[%swap3A], %add3A_304 {strides = array<i32>} : memref<16384xf32, #tpu.memory_space<vmem>>, vector<16384xf32>,
    %swap3A_308 = arith.constant 0 : index
    %swap3A_309 = vector.load %arg6[%swap3A_308] : memref<16384xf32, #tpu.memory_space<vmem>>, vector<16384xf32>
    tpu.vector_store %arg6[%swap3A_308], %add3A_306 {strides = array<i32>} : memref<16384xf32, #tpu.memory_space<vmem>>, vector<16384xf32>,
    %eq3A_310 = arith.constant 3 : i32
    %eq3A_311 = arith.cmpi eq, %arg0, %eq3A_310 : i32
    %convert_element_type3A_312 = arith.extui %eq3A_311 : i1 to i32
    %cond3A_313 = arith.constant 0 : i32
    %cond3A_314 = arith.cmpi ne, %convert_element_type3A_312, %cond3A_313 : i32
    scf.if %cond3A_314 {
      %div3A = arith.divf %add3A_304, %add3A_306 : vector<16384xf32>
      %get3A_315 = arith.constant 0 : index
      %get3A_316 = arith.constant 0 : index
      %get3A_317 = vector.load %arg3[%get3A_315, %get3A_316] : memref<1x1xf32, #tpu.memory_space<vmem>>, vector<1x1xf32>
      %get3A_318 = vector.extract %get3A_317[0, 0] : f32 from vector<1x1xf32>
      %add3A_319 = vector.broadcast %get3A_318 : f32 to vector<16384xf32>
      %add3A_320 = arith.addf %div3A, %add3A_319 : vector<16384xf32>
      %swap3A_321 = arith.constant 0 : index
      %swap3A_322 = vector.load %arg4[%swap3A_321] : memref<16384xf32, #tpu.memory_space<vmem>>, vector<16384xf32>
      tpu.vector_store %arg4[%swap3A_321], %add3A_320 {strides = array<i32>} : memref<16384xf32, #tpu.memory_space<vmem>>, vector<16384xf32>,
    } else {
    }
    return
  }
  func.func @transform_0(%arg0: i32) -> i32 {
    %c0_i32 = arith.constant 0 : i32
    return %arg0 : i32
  }
  func.func @transform_1(%arg0: i32) -> i32 {
    %c0_i32 = arith.constant 0 : i32
    return %arg0 : i32
  }
  func.func @transform_2(%arg0: i32) -> (i32, i32) {
    %c0_i32 = arith.constant 0 : i32
    %c0_i32_0 = arith.constant 0 : i32
    %c0_i32_1 = arith.constant 0 : i32
    return %c0_i32, %c0_i32_0 : i32, i32
  }
  func.func @transform_3(%arg0: i32) -> i32 {
    %c0_i32 = arith.constant 0 : i32
    %c0_i32_0 = arith.constant 0 : i32
    return %c0_i32 : i32
  }
}

</mosaic_0001>

<sc_bundles>
// kernel: kernel.5.cloned.1.call-start
scs
__scs_entry_jumppad:
0x0: {  	(pc) =	sbr.rel $0x88, $3  }
0x1: {  	(tag) =	ssettag $0x0;
	lr =	simm.s32 $0x1  }
0x2: {  	[smem:$0x3F9C] =	sst lr;
	_ =	strace $0xD0000000  }
0x3: {  	_ = 	snop  }
0x4: {  	_ = 	snop  }
0x5: {  	_ = 	snop  }
0x6: {  	_ = 	snop  }
0x7: {  	_ = 	snop  }
__scs_overlays_trampoline_lowered:
0x8: {  	[smem:$0x3FAB] =	sst s0  }
0x9: {  	[smem:$0x3FAC] =	sst s1  }
0xa: {  	[smem:$0x3FAD] =	sst s2  }
0xb: {  	[smem:$0x3FAE] =	sst s3  }
0xc: {  	[smem:$0x3FAF] =	sst s4  }
0xd: {  	[smem:$0x3FB0] =	sst s5  }
0xe: {  	[smem:$0x3FB1] =	sst s6  }
0xf: {  	[smem:$0x3FB2] =	sst s7  }
0x10: {  	[smem:$0x3FB3] =	sst s8  }
0x11: {  	[smem:$0x3FB4] =	sst s9;
	s0 =	simm.s32 @!p0 $0x0  }
0x12: {  	s1 =	sld [smem:$0x3F9A];
	s0 =	simm.s32 @p0 $0x1  }
0x13: {  	[smem:$0x3FB5] =	sst s0;
	s0 =	simm.s32 @!p1 $0x0  }
0x14: {  	s2 =	sld [smem:$0x3F99];
	s0 =	simm.s32 @p1 $0x1  }
0x15: {  	[smem:$0x3FB6] =	sst s0;
	s0 =	simm.s32 @!p2 $0x0  }
0x16: {  	s3 =	sld [smem:$0x3FDB];
	s0 =	simm.s32 @p2 $0x1  }
0x17: {  	s4 =	simm.s32 $0x1BF5;
	[smem:$0x3FB8] =	sst s0  }
0x18: {  	s0 =	sld [smem:$0x3F9B];
	_ =	swait.ge [sflag:s4], $0x0  }
0x19: {  	s7 =	sld [smem:$0x3F9C]  }
0x1a: {  	s8 =	sadd.s32 $0xFFFFE003, lr  }
0x1b: {  	s9 =	sadd.s32 $0xFFFFFEF7, lr;
	s5 =	simm.s32 $0xFFFFFFFF;
	p2 =	slt.u32 s8, $0xFFFFF086  }
0x1c: {  	p1 =	slt.u32 s9, $0xF7A;
	s5 =	simm.s32 @!p2 $0x0  }
0x1d: {  	s5 =	simm.s32 @p1 $0x1;
	p0 =	seq.s32 s7, s2  }
0x1e: {  	s7 =	smul.u32 @!p0 $0xF7A, s2;
	p2 =	seq.s32 @!p0 s5, $0x0  }
0x1f: {  	s9 =	smul.u32 $0xF7A, s1;
	s8 =	simm.s32 @!p0 $0x1BF5;
	p2 =	por !p2, p0  }
0x20: {  	[sflag:s8] =	ssyncset.s32 @!p0 $0xFFFFF086;
	s6 =	sadd.s32 @!p0 s3, s7;
	s7 =	simm.s32 @!p0 $0x108  }
0x21: {  	s3 =	sadd.s32 s3, s9;
	s6 =	sadd.s32 @!p0 $0x88, s6;
	s7 =	simm.s32 @p2 $0x1082  }
0x22: {  	[simem:s7], [sflag:s8] =	dma.local @!p0 [hbm:s6], $0xF7A  }
0x23: {  	s9 =	sor.u32 $0xD0000000, s2;
	s6 =	simm.s32 $0x108;
	_ =	swait.ge @!p0 [sflag:s8], $0x0  }
0x24: {  	s3 =	sadd.s32 $0x88, s3;
	s6 =	simm.s32 @!p1 $0x1082;
	[sflag:s4] =	ssyncset.s32 $0xFFFFF086  }
0x25: {  	[simem:s6], [sflag:s4] =	dma.local [hbm:s3], $0xF7A  }
0x26: {  	[smem:$0x3F9C] =	sst s1;
	(tag) =	ssettag s2;
	_ =	strace s9  }
0x27: {  	s1 =	sld [smem:$0x3FAC]  }
0x28: {  	s2 =	sld [smem:$0x3FAD]  }
0x29: {  	s4 =	sld [smem:$0x3FAF]  }
0x2a: {  	p0 =	seq.s32 s5, $0x0;
	s5 =	sld [smem:$0x3FB0]  }
0x2b: {  	s6 =	sld [smem:$0x3FB1]  }
0x2c: {  	s7 =	sld [smem:$0x3FB2]  }
0x2d: {  	s3 =	simm.s32 $0x108;
	s8 =	sld [smem:$0x3FB3]  }
0x2e: {  	s3 =	simm.s32 @!p0 $0x1082;
	s9 =	sld [smem:$0x3FB4]  }
0x2f: {  	lr =	sadd.s32 s0, s3;
	s0 =	sld [smem:$0x3FAB]  }
0x30: {  	s3 =	sld [smem:$0x3FAE]  }
0x31: {  	[smem:$0x3FB7] =	sst s10  }
0x32: {  	s10 =	sld [smem:$0x3FB5];
	_ =	sdelay $0x3  }
0x33: {  	p0 =	seq.s32 s10, $0x1;
	s10 =	sld [smem:$0x3FB7];
	_ =	sdelay $0x3  }
0x34: {  	[smem:$0x3FB7] =	sst s10  }
0x35: {  	s10 =	sld [smem:$0x3FB6];
	_ =	sdelay $0x3  }
0x36: {  	p1 =	seq.s32 s10, $0x1;
	s10 =	sld [smem:$0x3FB7];
	_ =	sdelay $0x3  }
0x37: {  	[smem:$0x3FB7] =	sst s10  }
0x38: {  	s10 =	sld [smem:$0x3FB8]  }
0x39: {  	_ = 	snop;
	(pc) =	sbr.ind lr, $3  }
0x3a: {  	_ = 	snop  }
0x3b: {  	_ = 	snop  }
0x3c: {  	p2 =	seq.s32 s10, $0x1;
	s10 =	sld [smem:$0x3FB7]  }
0x3d: {  	_ =	shalt  }
0x3e: {  	_ =	shalt  }
0x3f: {  	_ =	shalt  }
0x40: {  	_ =	shalt  }
0x41: {  	_ =	shalt  }
0x42: {  	_ =	shalt  }
0x43: {  	_ =	shalt  }
0x44: {  	_ =	shalt  }
0x45: {  	_ =	shalt  }
0x46: {  	_ =	shalt  }
0x47: {  	_ =	shalt  }
0x48: {  	_ =	shalt  }
0x49: {  	_ =	shalt  }
0x4a: {  	_ =	shalt  }
0x4b: {  	_ =	shalt  }
0x4c: {  	_ =	shalt  }
0x4d: {  	_ =	shalt  }
0x4e: {  	_ =	shalt  }
0x4f: {  	_ =	shalt  }
0x50: {  	_ =	shalt  }
0x51: {  	_ =	shalt  }
0x52: {  	_ =	shalt  }
0x53: {  	_ =	shalt  }
0x54: {  	_ =	shalt  }
0x55: {  	_ =	shalt  }
0x56: {  	_ =	shalt  }
0x57: {  	_ =	shalt  }
0x58: {  	_ =	shalt  }
0x59: {  	_ =	shalt  }
0x5a: {  	_ =	shalt  }
0x5b: {  	_ =	shalt  }
0x5c: {  	_ =	shalt  }
0x5d: {  	_ =	shalt  }
0x5e: {  	_ =	shalt  }
0x5f: {  	_ =	shalt  }
0x60: {  	_ =	shalt  }
0x61: {  	_ =	shalt  }
0x62: {  	_ =	shalt  }
0x63: {  	_ =	shalt  }
0x64: {  	_ =	shalt  }
0x65: {  	_ =	shalt  }
0x66: {  	_ =	shalt  }
0x67: {  	_ =	shalt  }
0x68: {  	_ =	shalt  }
0x69: {  	_ =	shalt  }
0x6a: {  	_ =	shalt  }
0x6b: {  	_ =	shalt  }
0x6c: {  	_ =	shalt  }
0x6d: {  	_ =	shalt  }
0x6e: {  	_ =	shalt  }
0x6f: {  	_ =	shalt  }
0x70: {  	_ =	shalt  }
0x71: {  	_ =	shalt  }
0x72: {  	_ =	shalt  }
0x73: {  	_ =	shalt  }
0x74: {  	_ =	shalt  }
0x75: {  	_ =	shalt  }
0x76: {  	_ =	shalt  }
0x77: {  	_ =	shalt  }
0x78: {  	_ =	shalt  }
0x79: {  	_ =	shalt  }
0x7a: {  	_ =	shalt  }
0x7b: {  	_ =	shalt  }
0x7c: {  	_ =	shalt  }
0x7d: {  	_ =	shalt  }
0x7e: {  	_ =	shalt  }
0x7f: {  	_ =	shalt  }
0x80: {  	_ =	shalt  }
0x81: {  	_ =	shalt  }
0x82: {  	_ =	shalt  }
0x83: {  	_ =	shalt  }
0x84: {  	_ =	shalt  }
0x85: {  	_ =	shalt  }
0x86: {  	_ =	shalt  }
0x87: {  	_ =	shalt  }
.Lfunc_end0:
.L_simem_size_0:
called_computation_lowered:
.L_overlay_start_0:
0x88: {  	s2 =	sld [smem:$0x3FD9]  }
0x89: {  	s3 =	sld [smem:$0x3FFE];
	_ =	sdelay $0x1  }
0x8a: {  	s1 =	srdreg.scid  }
0x8b: {  	s0 =	sand.u32 $0x1, s1  }
0x8c: {  	s16 =	sshll.u32 s0, $0xA;
	s2 =	sadd.s32 s3, s2  }
0x8d: {  	s2 =	sadd.s32 s2, s16  }
0x8e: {  	[smem:$0x3FC3] =	sst s2  }
0x8f: {  	_ = 	snop  }
0x90: {  	(tm) =	ssettm $0x1  }
0x91: {  	s17 =	sld [smem:$0x3FFB];
	_ =	sdelay $0x3  }
0x92: {  	_ =	strace s17  }
0x93: {  	s2 =	sld [smem:$0x3FFC];
	_ =	sdelay $0x3  }
0x94: {  	_ =	strace s2  }
0x95: {  	s2 =	sld [smem:$0x3FFD];
	_ =	sdelay $0x3  }
0x96: {  	_ =	strace s2  }
0x97: {  	_ =	strace $0x8FFFFFFF  }
0x98: {  	s18 =	sld [smem:$0x3FDB];
	_ =	sdelay $0x1  }
0x99: {  	s19 =	simm.s32 $_scs_section_size  }
0x9a: {  	s4 =	simm.s32 $_size__tile_overlayer_lowered;
	s5 =	simm.s32 $_tile_overlayer_lowered  }
0x9b: {  	s22 =	simm.s32 $0x1BFF;
	s21 =	sshll.u32 s5, $0x1;
	s2 =	sadd.s32 s19, s18  }
0x9c: {  	s6 =	simm.s32 $0x0;
	s20 =	sshll.u32 s4, $0x1;
	s4 =	sadd.s32 s21, s2  }
0x9d: {  	[timem:s6], [sflag:s22] =	dma.local [hbm:s4], s20  }
0x9e: {  	_ =	swait.ge [sflag:s22], s20  }
0x9f: {  	s3 =	ssub.s32 $0x0, s20;
	[sflag:s22] =	ssyncset.done $0x0  }
0xa0: {  	[sflag:s22] =	ssyncadd.s32 s3;
	_ =	sdelay $0x1  }
0xa1: {  	s23 =	simm.s32 $0x1B8B  }
0xa2: {  	_ =	swait.ge [sflag:s23], $0x1  }
0xa3: {  	[sflag:s23] =	ssyncset.done $0x0  }
0xa4: {  	s25 =	simm.s32 $0x1B8E;
	s24 =	sld [smem:$0x3FFE];
	[sflag:s23] =	ssyncadd.s32 $0xFFFFFFFF  }
0xa5: {  	s26 =	simm.s32 $execute0_lowered;
	[smem:$0x3FD2] =	sst s25  }
0xa6: {  	s4 =	sshll.u32 s26, $0x1;
	_ =	strace $0x80000046;
	[dreg:$0x1] =	wrdreg $0xFFFFFFFF  }
0xa7: {  	s28 =	simm.s32 $_size_execute0_lowered;
	s2 =	sadd.s32 s2, s4;
	[dreg:$0x0] =	wrdreg $0x0  }
0xa8: {  	s4 =	sshll.u32 s28, $0x1;
	[dreg:$0x2] =	wrdreg s2  }
0xa9: {  	[dreg:$0x3] =	wrdreg s4  }
0xaa: {  	[dreg:$0x4] =	wrdreg $0xC0  }
0xab: {  	_ =	task [dreg:s6], $0x5FFFF  }
0xac: {  	[dreg:$0x1] =	wrdreg $0xFFFFFFFF  }
0xad: {  	[dreg:$0x0] =	wrdreg $0x60  }
0xae: {  	[dreg:$0x2] =	wrdreg s24  }
0xaf: {  	[dreg:$0x3] =	wrdreg $0x9  }
0xb0: {  	_ =	task.clear_ibuf [dreg:s6], $0x4FFFF;
	_ =	strace $0x90000046  }
0xb1: {  	s29 =	simm.s32 $0x9;
	_ =	strace $0x80000048  }
0xb2: {  	_ =	swait.ge [sflag:s29], $0x1  }
0xb3: {  	[sflag:s29] =	ssyncadd.s32 $0xFFFFFFFF  }
0xb4: {  	_ =	strace $0x90000048  }
0xb5: {  	_ =	sfence  }
0xb6: {  	s30 =	sld [smem:$0x0];
	_ =	sdelay $0x2  }
0xb7: {  	s31 =	sshll.u32 s1, $0xD;
	s1 =	sshrl.u32 s1, $0x2  }
0xb8: {  	s3 =	sand.u32 $0x4000, s31;
	s1 =	sadd.s32 s1, s30  }
0xb9: {  	s0 =	sor.u32 s3, s0;
	s1 =	sshll.u32 s1, $0x11  }
0xba: {  	s0 =	sor.u32 s1, s0  }
0xbb: {  	s0 =	sadd.s32 $0x8F2B, s0  }
0xbc: {  	[sflag:s0] =	ssyncadd.remote.s32 $0x1  }
0xbd: {  	_ =	sfence.sel $0xFFFF  }
0xbe: {  	[dreg:$0x0] =	wrdreg $0xFFFFFFFF;
	(pc) =	sbr.abs _section_cstart, $3  }
0xbf: {  	[dreg:$0x1] =	wrdreg $0xFFFFFFFF  }
0xc0: {  	_ =	task.clear_ibuf [dreg:s6], $0x2FFFF;
	_ =	strace $0x9FFFFFFF  }
0xc1: {  	(tm) =	ssettm $0x7FFFFFFF  }
tec
execute0_lowered:
.L_overlay_start_1:
0x0: {  	(tag) =	ssettag $0x1  }
0x1: {  	s1 =	srdreg.scid;
	s0 =	stileid.u32  }
0x2: {  	s30 =	sand.u32 $0x1, s1;
	s26 =	sshll.u32 s0, $0x1  }
0x3: {  	s1 =	sor.u32 s30, s26  }
0x4: {  	s3 =	smul.u32 $0x19000, s1  }
0x5: {  	s13 =	rddreg [dreg:$0x0];
	s2 =	simm.s32 $0x0  }
0x6: {  	[smem:$0x7FF] =	sst s2;
	s25 =	sadd.s32 $0x1A00, s13;
	s26 =	sshrl.u32 s3, $0x3  }
0x7: {  	_ =	strace $0x80000047;
	s3 =	sadd.s32 s25, s26;
	s17 =	sadd.s32 $0x640, s26  }
0x8: {  	[tilespmem:s2], [sflag:$0x1] =	stream.linear.gather [hbm4b:s3+s2], $0x3200, $0x38;
	[tilespmem:$0xFA00] =	vst v63  }
0x9: {  	s5 =	simm.s32 $0x3200;
	s6 =	simm.s32 $0x1;
	s4 =	sadd.s32 s25, s17  }
0xa: {  	[tilespmem:s5], [sflag:$0x1] =	stream.linear.gather [hbm4b:s4+s2], $0x3200, $0x38;
	[tilespmem:$0xFA00] =	vst v63  }
0xb: {  	_ =	swait.ge [sflag:s6], $0x3200  }
0xc: {  	s8 =	simm.s32 $0x9600;
	[sflag:s6] =	ssyncset.done $0x0  }
0xd: {  	s7 =	sadd.s32 $0x65A00, s13;
	s20 =	sadd.s32 $0xC80, s26;
	[sflag:s6] =	ssyncadd.s32 $0xFFFFCE00  }
0xe: {  	[tilespmem:s8], [sflag:$0x2] =	stream.indirect.gather [hbm4b:s7+s5], $0x1, s2, s5, $0xb8;
	[tilespmem:$0xFA00] =	vst v63  }
0xf: {  	s10 =	simm.s32 $0x6400;
	s9 =	sadd.s32 s25, s20  }
0x10: {  	[tilespmem:s10], [sflag:$0x1] =	stream.linear.gather [hbm4b:s9+s2], $0x3200, $0x38;
	[tilespmem:$0xFA00] =	vst v63  }
0x11: {  	_ =	swait.ge [sflag:s6], $0x3200  }
0x12: {  	[sflag:s6] =	ssyncset.done $0x0  }
0x13: {  	s11 =	simm.s32 $0xC800;
	s12 =	simm.s32 $0x2;
	[sflag:s6] =	ssyncadd.s32 $0xFFFFCE00  }
0x14: {  	[tilespmem:s11], [sflag:$0x3] =	stream.indirect.gather [hbm4b:s7+s5], $0x1, s5, s5, $0xb8;
	[tilespmem:$0xFA00] =	vst v63  }
0x15: {  	_ =	swait.ge [sflag:s12], $0x3200  }
0x16: {  	s29 =	sadd.s32 $0x84400, s13;
	[sflag:s12] =	ssyncset.done $0x0  }
0x17: {  	s13 =	sadd.s32 s29, s26;
	s22 =	sadd.s32 $0x12C0, s26;
	[sflag:s12] =	ssyncadd.s32 $0xFFFFCE00  }
0x18: {  	[hbm4b:s13+s2] =	stream.linear.scatter [tilespmem:s8], [sflag:$0x4], $0x3200, $0x38;
	[tilespmem:$0xFA00] =	vst v63  }
0x19: {  	s14 =	sadd.s32 s25, s22  }
0x1a: {  	[tilespmem:s2], [sflag:$0x1] =	stream.linear.gather [hbm4b:s14+s2], $0x3200, $0x38;
	[tilespmem:$0xFA00] =	vst v63  }
0x1b: {  	_ =	swait.ge [sflag:s6], $0x3200  }
0x1c: {  	[sflag:s6] =	ssyncset.done $0x0  }
0x1d: {  	s15 =	simm.s32 $0x4;
	[sflag:s6] =	ssyncadd.s32 $0xFFFFCE00  }
0x1e: {  	_ =	swait.ge [sflag:s15], $0x3200  }
0x1f: {  	[sflag:s15] =	ssyncset.done $0x0  }
0x20: {  	s16 =	simm.s32 $0x3;
	[sflag:s15] =	ssyncadd.s32 $0xFFFFCE00  }
0x21: {  	[tilespmem:s8], [sflag:$0x2] =	stream.indirect.gather [hbm4b:s7+s5], $0x1, s10, s5, $0xb8;
	[tilespmem:$0xFA00] =	vst v63  }
0x22: {  	_ =	swait.ge [sflag:s16], $0x3200  }
0x23: {  	[sflag:s16] =	ssyncset.done $0x0  }
0x24: {  	s24 =	sadd.s32 $0x1900, s26;
	s17 =	sadd.s32 s29, s17;
	[sflag:s16] =	ssyncadd.s32 $0xFFFFCE00  }
0x25: {  	[hbm4b:s17+s2] =	stream.linear.scatter [tilespmem:s11], [sflag:$0x5], $0x3200, $0x38;
	[tilespmem:$0xFA00] =	vst v63  }
0x26: {  	s18 =	sadd.s32 s25, s24  }
0x27: {  	[tilespmem:s5], [sflag:$0x1] =	stream.linear.gather [hbm4b:s18+s2], $0x3200, $0x38;
	[tilespmem:$0xFA00] =	vst v63  }
0x28: {  	_ =	swait.ge [sflag:s6], $0x3200  }
0x29: {  	[sflag:s6] =	ssyncset.done $0x0  }
0x2a: {  	s19 =	simm.s32 $0x5;
	[sflag:s6] =	ssyncadd.s32 $0xFFFFCE00  }
0x2b: {  	_ =	swait.ge [sflag:s19], $0x3200  }
0x2c: {  	[sflag:s19] =	ssyncset.done $0x0  }
0x2d: {  	[sflag:s19] =	ssyncadd.s32 $0xFFFFCE00  }
0x2e: {  	[tilespmem:s11], [sflag:$0x3] =	stream.indirect.gather [hbm4b:s7+s5], $0x1, s2, s5, $0xb8;
	[tilespmem:$0xFA00] =	vst v63  }
0x2f: {  	_ =	swait.ge [sflag:s12], $0x3200  }
0x30: {  	[sflag:s12] =	ssyncset.done $0x0  }
0x31: {  	s28 =	sadd.s32 $0x1F40, s26;
	s20 =	sadd.s32 s29, s20;
	[sflag:s12] =	ssyncadd.s32 $0xFFFFCE00  }
0x32: {  	[hbm4b:s20+s2] =	stream.linear.scatter [tilespmem:s8], [sflag:$0x4], $0x3200, $0x38;
	[tilespmem:$0xFA00] =	vst v63  }
0x33: {  	s21 =	sadd.s32 s25, s28  }
0x34: {  	[tilespmem:s10], [sflag:$0x1] =	stream.linear.gather [hbm4b:s21+s2], $0x3200, $0x38;
	[tilespmem:$0xFA00] =	vst v63  }
0x35: {  	_ =	swait.ge [sflag:s6], $0x3200  }
0x36: {  	[sflag:s6] =	ssyncset.done $0x0  }
0x37: {  	[sflag:s6] =	ssyncadd.s32 $0xFFFFCE00  }
0x38: {  	_ =	swait.ge [sflag:s15], $0x3200  }
0x39: {  	[sflag:s15] =	ssyncset.done $0x0  }
0x3a: {  	[sflag:s15] =	ssyncadd.s32 $0xFFFFCE00  }
0x3b: {  	[tilespmem:s8], [sflag:$0x2] =	stream.indirect.gather [hbm4b:s7+s5], $0x1, s5, s5, $0xb8;
	[tilespmem:$0xFA00] =	vst v63  }
0x3c: {  	_ =	swait.ge [sflag:s16], $0x3200  }
0x3d: {  	[sflag:s16] =	ssyncset.done $0x0  }
0x3e: {  	s31 =	sadd.s32 $0x2580, s26;
	s22 =	sadd.s32 s29, s22;
	[sflag:s16] =	ssyncadd.s32 $0xFFFFCE00  }
0x3f: {  	[hbm4b:s22+s2] =	stream.linear.scatter [tilespmem:s11], [sflag:$0x5], $0x3200, $0x38;
	[tilespmem:$0xFA00] =	vst v63  }
0x40: {  	s23 =	sadd.s32 s25, s31  }
0x41: {  	[tilespmem:s2], [sflag:$0x1] =	stream.linear.gather [hbm4b:s23+s2], $0x3200, $0x38;
	[tilespmem:$0xFA00] =	vst v63  }
0x42: {  	_ =	swait.ge [sflag:s6], $0x3200  }
0x43: {  	[sflag:s6] =	ssyncset.done $0x0  }
0x44: {  	[sflag:s6] =	ssyncadd.s32 $0xFFFFCE00  }
0x45: {  	_ =	swait.ge [sflag:s19], $0x3200  }
0x46: {  	[sflag:s19] =	ssyncset.done $0x0  }
0x47: {  	[sflag:s19] =	ssyncadd.s32 $0xFFFFCE00  }
0x48: {  	[tilespmem:s11], [sflag:$0x3] =	stream.indirect.gather [hbm4b:s7+s5], $0x1, s10, s5, $0xb8;
	[tilespmem:$0xFA00] =	vst v63  }
0x49: {  	_ =	swait.ge [sflag:s12], $0x3200  }
0x4a: {  	[sflag:s12] =	ssyncset.done $0x0  }
0x4b: {  	s1 =	sadd.s32 $0x2BC0, s26;
	s24 =	sadd.s32 s29, s24;
	[sflag:s12] =	ssyncadd.s32 $0xFFFFCE00  }
0x4c: {  	[hbm4b:s24+s2] =	stream.linear.scatter [tilespmem:s8], [sflag:$0x4], $0x3200, $0x38;
	[tilespmem:$0xFA00] =	vst v63  }
0x4d: {  	s25 =	sadd.s32 s25, s1  }
0x4e: {  	[tilespmem:s5], [sflag:$0x1] =	stream.linear.gather [hbm4b:s25+s2], $0x3200, $0x38;
	[tilespmem:$0xFA00] =	vst v63  }
0x4f: {  	_ =	swait.ge [sflag:s6], $0x3200  }
0x50: {  	[sflag:s6] =	ssyncset.done $0x0  }
0x51: {  	[sflag:s6] =	ssyncadd.s32 $0xFFFFCE00  }
0x52: {  	_ =	swait.ge [sflag:s15], $0x3200  }
0x53: {  	[sflag:s15] =	ssyncset.done $0x0  }
0x54: {  	[sflag:s15] =	ssyncadd.s32 $0xFFFFCE00  }
0x55: {  	[tilespmem:s8], [sflag:$0x2] =	stream.indirect.gather [hbm4b:s7+s5], $0x1, s2, s5, $0xb8;
	[tilespmem:$0xFA00] =	vst v63  }
0x56: {  	_ =	swait.ge [sflag:s16], $0x3200  }
0x57: {  	[sflag:s16] =	ssyncset.done $0x0  }
0x58: {  	s26 =	sadd.s32 s29, s28;
	[sflag:s16] =	ssyncadd.s32 $0xFFFFCE00  }
0x59: {  	[hbm4b:s26+s2] =	stream.linear.scatter [tilespmem:s11], [sflag:$0x5], $0x3200, $0x38;
	[tilespmem:$0xFA00] =	vst v63  }
0x5a: {  	_ =	swait.ge [sflag:s6], $0x3200  }
0x5b: {  	[sflag:s6] =	ssyncset.done $0x0  }
0x5c: {  	[sflag:s6] =	ssyncadd.s32 $0xFFFFCE00  }
0x5d: {  	_ =	swait.ge [sflag:s19], $0x3200  }
0x5e: {  	[sflag:s19] =	ssyncset.done $0x0  }
0x5f: {  	[sflag:s19] =	ssyncadd.s32 $0xFFFFCE00  }
0x60: {  	[tilespmem:s11], [sflag:$0x3] =	stream.indirect.gather [hbm4b:s7+s5], $0x1, s5, s5, $0xb8;
	[tilespmem:$0xFA00] =	vst v63  }
0x61: {  	_ =	swait.ge [sflag:s12], $0x3200  }
0x62: {  	s28 =	sadd.s32 s29, s31;
	s31 =	ssub.s32 $0x2, s30;
	[sflag:s12] =	ssyncset.done $0x0  }
0x63: {  	s30 =	sshrl.u32 s31, $0x1;
	[sflag:s12] =	ssyncadd.s32 $0xFFFFCE00  }
0x64: {  	[hbm4b:s28+s2] =	stream.linear.scatter [tilespmem:s8], [sflag:$0x4], $0x3200, $0x38;
	[tilespmem:$0xFA00] =	vst v63  }
0x65: {  	s29 =	sadd.s32 s29, s1;
	s1 =	ssub.s32 s31, s30;
	_ =	swait.ge [sflag:s16], $0x3200  }
0x66: {  	s1 =	smax.u32 s1, $0x1;
	[sflag:s16] =	ssyncset.done $0x0  }
0x67: {  	p0 =	sne.s32 s1, $0x1;
	[sflag:s16] =	ssyncadd.s32 $0xFFFFCE00  }
0x68: {  	[hbm4b:s29+s2] =	stream.linear.scatter [tilespmem:s11], [sflag:$0x5], $0x3200, $0x38;
	[tilespmem:$0xFA00] =	vst v63  }
.Ltmp0:
0x69: {  	_ =	swait.ge [sflag:s15], $0x3200;
	(pc) =	sbr.rel @!p0 .LBB2_2-.Ltmp0, $4  }
0x6a: {  	[sflag:s15] =	ssyncset.done $0x0  }
0x6b: {  	[sflag:s15] =	ssyncadd.s32 $0xFFFFCE00  }
0x6c: {  	_ =	swait.ge [sflag:s19], $0x3200  }
0x6d: {  	s30 =	sadd.s32 $0xFFFFFFFF, s1;
	[sflag:s19] =	ssyncset.done $0x0  }
.LBB2_1:
0x6e: {  	p0 =	sne.s32 s30, $0x1;
	s30 =	sadd.s32 $0xFFFFFFFF, s30;
	[sflag:s19] =	ssyncadd.s32 $0xFFFFCE00  }
0x6f: {  	[tilespmem:s2], [sflag:$0x1] =	stream.linear.gather [hbm4b:s3+s2], $0x3200, $0x38;
	[tilespmem:$0xFA00] =	vst v63  }
0x70: {  	_ = 	snop  }
0x71: {  	[tilespmem:s5], [sflag:$0x1] =	stream.linear.gather [hbm4b:s4+s2], $0x3200, $0x38;
	[tilespmem:$0xFA00] =	vst v63  }
0x72: {  	_ =	swait.ge [sflag:s6], $0x3200  }
0x73: {  	[sflag:s6] =	ssyncset.done $0x0  }
0x74: {  	[sflag:s6] =	ssyncadd.s32 $0xFFFFCE00  }
0x75: {  	[tilespmem:s8], [sflag:$0x2] =	stream.indirect.gather [hbm4b:s7+s5], $0x1, s2, s5, $0xb8;
	[tilespmem:$0xFA00] =	vst v63  }
0x76: {  	_ = 	snop  }
0x77: {  	[tilespmem:s10], [sflag:$0x1] =	stream.linear.gather [hbm4b:s9+s2], $0x3200, $0x38;
	[tilespmem:$0xFA00] =	vst v63  }
0x78: {  	_ =	swait.ge [sflag:s6], $0x3200  }
0x79: {  	[sflag:s6] =	ssyncset.done $0x0  }
0x7a: {  	[sflag:s6] =	ssyncadd.s32 $0xFFFFCE00  }
0x7b: {  	[tilespmem:s11], [sflag:$0x3] =	stream.indirect.gather [hbm4b:s7+s5], $0x1, s5, s5, $0xb8;
	[tilespmem:$0xFA00] =	vst v63  }
0x7c: {  	_ =	swait.ge [sflag:s12], $0x3200  }
0x7d: {  	[sflag:s12] =	ssyncset.done $0x0  }
0x7e: {  	[sflag:s12] =	ssyncadd.s32 $0xFFFFCE00  }
0x7f: {  	[hbm4b:s13+s2] =	stream.linear.scatter [tilespmem:s8], [sflag:$0x4], $0x3200, $0x38;
	[tilespmem:$0xFA00] =	vst v63  }
0x80: {  	_ = 	snop  }
0x81: {  	[tilespmem:s2], [sflag:$0x1] =	stream.linear.gather [hbm4b:s14+s2], $0x3200, $0x38;
	[tilespmem:$0xFA00] =	vst v63  }
0x82: {  	_ =	swait.ge [sflag:s6], $0x3200  }
0x83: {  	[sflag:s6] =	ssyncset.done $0x0  }
0x84: {  	[sflag:s6] =	ssyncadd.s32 $0xFFFFCE00  }
0x85: {  	_ =	swait.ge [sflag:s15], $0x3200  }
0x86: {  	[sflag:s15] =	ssyncset.done $0x0  }
0x87: {  	[sflag:s15] =	ssyncadd.s32 $0xFFFFCE00  }
0x88: {  	[tilespmem:s8], [sflag:$0x2] =	stream.indirect.gather [hbm4b:s7+s5], $0x1, s10, s5, $0xb8;
	[tilespmem:$0xFA00] =	vst v63  }
0x89: {  	_ =	swait.ge [sflag:s16], $0x3200  }
0x8a: {  	[sflag:s16] =	ssyncset.done $0x0  }
0x8b: {  	[sflag:s16] =	ssyncadd.s32 $0xFFFFCE00  }
0x8c: {  	[hbm4b:s17+s2] =	stream.linear.scatter [tilespmem:s11], [sflag:$0x5], $0x3200, $0x38;
	[tilespmem:$0xFA00] =	vst v63  }
0x8d: {  	_ = 	snop  }
0x8e: {  	[tilespmem:s5], [sflag:$0x1] =	stream.linear.gather [hbm4b:s18+s2], $0x3200, $0x38;
	[tilespmem:$0xFA00] =	vst v63  }
0x8f: {  	_ =	swait.ge [sflag:s6], $0x3200  }
0x90: {  	[sflag:s6] =	ssyncset.done $0x0  }
0x91: {  	[sflag:s6] =	ssyncadd.s32 $0xFFFFCE00  }
0x92: {  	_ =	swait.ge [sflag:s19], $0x3200  }
0x93: {  	[sflag:s19] =	ssyncset.done $0x0  }
0x94: {  	[sflag:s19] =	ssyncadd.s32 $0xFFFFCE00  }
0x95: {  	[tilespmem:s11], [sflag:$0x3] =	stream.indirect.gather [hbm4b:s7+s5], $0x1, s2, s5, $0xb8;
	[tilespmem:$0xFA00] =	vst v63  }
0x96: {  	_ =	swait.ge [sflag:s12], $0x3200  }
0x97: {  	[sflag:s12] =	ssyncset.done $0x0  }
0x98: {  	[sflag:s12] =	ssyncadd.s32 $0xFFFFCE00  }
0x99: {  	[hbm4b:s20+s2] =	stream.linear.scatter [tilespmem:s8], [sflag:$0x4], $0x3200, $0x38;
	[tilespmem:$0xFA00] =	vst v63  }
0x9a: {  	_ = 	snop  }
0x9b: {  	[tilespmem:s10], [sflag:$0x1] =	stream.linear.gather [hbm4b:s21+s2], $0x3200, $0x38;
	[tilespmem:$0xFA00] =	vst v63  }
0x9c: {  	_ =	swait.ge [sflag:s6], $0x3200  }
0x9d: {  	[sflag:s6] =	ssyncset.done $0x0  }
0x9e: {  	[sflag:s6] =	ssyncadd.s32 $0xFFFFCE00  }
0x9f: {  	_ =	swait.ge [sflag:s15], $0x3200  }
0xa0: {  	[sflag:s15] =	ssyncset.done $0x0  }
0xa1: {  	[sflag:s15] =	ssyncadd.s32 $0xFFFFCE00  }
0xa2: {  	[tilespmem:s8], [sflag:$0x2] =	stream.indirect.gather [hbm4b:s7+s5], $0x1, s5, s5, $0xb8;
	[tilespmem:$0xFA00] =	vst v63  }
0xa3: {  	_ =	swait.ge [sflag:s16], $0x3200  }
0xa4: {  	[sflag:s16] =	ssyncset.done $0x0  }
0xa5: {  	[sflag:s16] =	ssyncadd.s32 $0xFFFFCE00  }
0xa6: {  	[hbm4b:s22+s2] =	stream.linear.scatter [tilespmem:s11], [sflag:$0x5], $0x3200, $0x38;
	[tilespmem:$0xFA00] =	vst v63  }
0xa7: {  	_ = 	snop  }
0xa8: {  	[tilespmem:s2], [sflag:$0x1] =	stream.linear.gather [hbm4b:s23+s2], $0x3200, $0x38;
	[tilespmem:$0xFA00] =	vst v63  }
0xa9: {  	_ =	swait.ge [sflag:s6], $0x3200  }
0xaa: {  	[sflag:s6] =	ssyncset.done $0x0  }
0xab: {  	[sflag:s6] =	ssyncadd.s32 $0xFFFFCE00  }
0xac: {  	_ =	swait.ge [sflag:s19], $0x3200  }
0xad: {  	[sflag:s19] =	ssyncset.done $0x0  }
0xae: {  	[sflag:s19] =	ssyncadd.s32 $0xFFFFCE00  }
0xaf: {  	[tilespmem:s11], [sflag:$0x3] =	stream.indirect.gather [hbm4b:s7+s5], $0x1, s10, s5, $0xb8;
	[tilespmem:$0xFA00] =	vst v63  }
0xb0: {  	_ =	swait.ge [sflag:s12], $0x3200  }
0xb1: {  	[sflag:s12] =	ssyncset.done $0x0  }
0xb2: {  	[sflag:s12] =	ssyncadd.s32 $0xFFFFCE00  }
0xb3: {  	[hbm4b:s24+s2] =	stream.linear.scatter [tilespmem:s8], [sflag:$0x4], $0x3200, $0x38;
	[tilespmem:$0xFA00] =	vst v63  }
0xb4: {  	_ = 	snop  }
0xb5: {  	[tilespmem:s5], [sflag:$0x1] =	stream.linear.gather [hbm4b:s25+s2], $0x3200, $0x38;
	[tilespmem:$0xFA00] =	vst v63  }
0xb6: {  	_ =	swait.ge [sflag:s6], $0x3200  }
0xb7: {  	[sflag:s6] =	ssyncset.done $0x0  }
0xb8: {  	[sflag:s6] =	ssyncadd.s32 $0xFFFFCE00  }
0xb9: {  	_ =	swait.ge [sflag:s15], $0x3200  }
0xba: {  	[sflag:s15] =	ssyncset.done $0x0  }
0xbb: {  	[sflag:s15] =	ssyncadd.s32 $0xFFFFCE00  }
0xbc: {  	[tilespmem:s8], [sflag:$0x2] =	stream.indirect.gather [hbm4b:s7+s5], $0x1, s2, s5, $0xb8;
	[tilespmem:$0xFA00] =	vst v63  }
0xbd: {  	_ =	swait.ge [sflag:s16], $0x3200  }
0xbe: {  	[sflag:s16] =	ssyncset.done $0x0  }
0xbf: {  	[sflag:s16] =	ssyncadd.s32 $0xFFFFCE00  }
0xc0: {  	[hbm4b:s26+s2] =	stream.linear.scatter [tilespmem:s11], [sflag:$0x5], $0x3200, $0x38;
	[tilespmem:$0xFA00] =	vst v63  }
0xc1: {  	_ =	swait.ge [sflag:s6], $0x3200  }
0xc2: {  	[sflag:s6] =	ssyncset.done $0x0  }
0xc3: {  	[sflag:s6] =	ssyncadd.s32 $0xFFFFCE00  }
0xc4: {  	_ =	swait.ge [sflag:s19], $0x3200  }
0xc5: {  	[sflag:s19] =	ssyncset.done $0x0  }
0xc6: {  	[sflag:s19] =	ssyncadd.s32 $0xFFFFCE00  }
0xc7: {  	[tilespmem:s11], [sflag:$0x3] =	stream.indirect.gather [hbm4b:s7+s5], $0x1, s5, s5, $0xb8;
	[tilespmem:$0xFA00] =	vst v63  }
0xc8: {  	_ =	swait.ge [sflag:s12], $0x3200  }
0xc9: {  	[sflag:s12] =	ssyncset.done $0x0  }
0xca: {  	[sflag:s12] =	ssyncadd.s32 $0xFFFFCE00  }
0xcb: {  	[hbm4b:s28+s2] =	stream.linear.scatter [tilespmem:s8], [sflag:$0x4], $0x3200, $0x38;
	[tilespmem:$0xFA00] =	vst v63  }
0xcc: {  	_ =	swait.ge [sflag:s16], $0x3200  }
0xcd: {  	[sflag:s16] =	ssyncset.done $0x0  }
0xce: {  	[sflag:s16] =	ssyncadd.s32 $0xFFFFCE00  }
0xcf: {  	[hbm4b:s29+s2] =	stream.linear.scatter [tilespmem:s11], [sflag:$0x5], $0x3200, $0x38;
	[tilespmem:$0xFA00] =	vst v63  }
.Ltmp1:
0xd0: {  	_ =	swait.ge [sflag:s15], $0x3200;
	(pc) =	sbr.rel @p0 .LBB2_1-.Ltmp1, $4  }
0xd1: {  	[sflag:s15] =	ssyncset.done $0x0  }
0xd2: {  	[sflag:s15] =	ssyncadd.s32 $0xFFFFCE00  }
0xd3: {  	_ =	swait.ge [sflag:s19], $0x3200  }
0xd4: {  	[sflag:s19] =	ssyncset.done $0x0  }
.LBB2_2:
0xd5: {  	[sflag:s19] =	ssyncadd.s32 $0xFFFFCE00  }
0xd6: {  	_ =	sfence.sel $0x180000  }
0xd7: {  	[bflag:$0x0] =	sbarrier.arrive $0xFFFF  }
0xd8: {  	_ =	strace $0x90000047  }
0xd9: {  	[bflag:$0x2] =	sbarrier.arrive $0xFFFF  }
0xda: {  	p0 =	sne.s32 s0, $0x0;
	s0 =	rddreg [dreg:$0x1]  }
0xdb: {  	s0 =	sadd.s32 @!p0 $0x100000, s0  }
0xdc: {  	[sflag:s0] =	ssyncadd.tile.s32 @!p0 $0x1;
	_ =	shalt  }
.Lfunc_end2:
_tile_overlayer_lowered:
.L_overlay_start_2:
0xdd: {  	(tag) =	ssettag $0x2  }
0xde: {  	s0 =	rddreg [dreg:$0x0];
	s2 =	stileid.u32  }
0xdf: {  	s1 =	rddreg [dreg:$0x1];
	p0 =	sne.s32 s2, $0x0  }
0xe0: {  	s3 =	rddreg [dreg:$0x2];
	[bflag:$0x3] =	sbarrier.arrive $0xFFFF;
	s2 =	simm.s32 @!p0 $0x1C06  }
0xe1: {  	[timem:s3], [sflag:s2] =	dma.local @!p0 [hbm:s0], s1  }
0xe2: {  	s0 =	simm.s32 @!p0 $0x6  }
0xe3: {  	_ =	swait.ge @!p0 [sflag:s0], s1  }
0xe4: {  	s1 =	ssub.s32 @!p0 $0x0, s1;
	[sflag:s0] =	ssyncset.done @!p0 $0x0  }
0xe5: {  	[sflag:s0] =	ssyncadd.s32 @!p0 s1  }
0xe6: {  	[bflag:$0x3] =	sbarrier.arrive $0xFFFF  }
0xe7: {  	_ =	shalt  }

</sc_bundles>
